<compile_context>
chip_gen: v7x
topology: tpu7x:2x2x1
jax: 0.10.2.dev20260603
libtpu: 0.0.44.dev20260713+nightly
codegen_flags: <defaults>
</compile_context>

<pallas_src>
import functools

import jax
import jax.numpy as jnp
from jax import lax
from jax.experimental import pallas as pl
from jax.experimental.pallas import tpu as pltpu
from jax.experimental.pallas import tpu_sc as plsc

_NC, _NS = 2, 16
_NW = _NC * _NS


def _make_sc_gather(n, V, D, DP):
    per_w = n // _NW
    G = 128
    ng = per_w // G
    NBUF = 8
    LAG = 4

    mesh = plsc.VectorSubcoreMesh(core_axis_name="c", subcore_axis_name="s")

    @functools.partial(
        pl.kernel,
        mesh=mesh,
        out_type=jax.ShapeDtypeStruct((n, DP), jnp.float32),
        compiler_params=pltpu.CompilerParams(use_tc_tiling_on_sc=False),
        scratch_types=[
            pltpu.VMEM((ng, G), jnp.int32),
            pltpu.VMEM((NBUF, G, D), jnp.float32),
            pltpu.SemaphoreType.DMA,
            pltpu.SemaphoreType.DMA,
        ],
    )
    def kg(items_hbm, table_hbm, out_hbm, idx_v, rows_v, gsem, ssem):
        wid = lax.axis_index("s") * _NC + lax.axis_index("c")
        base = pl.multiple_of(wid * per_w, per_w)
        tbl = table_hbm
        pltpu.sync_copy(items_hbm.at[wid], idx_v)

        def gather_desc(j, slot):
            return pltpu.make_async_copy(
                tbl.at[idx_v.at[j]], rows_v.at[slot], gsem)

        def scat_desc(j, slot):
            off = pl.multiple_of(base + j * G, G)
            return pltpu.make_async_copy(
                rows_v.at[slot], out_hbm.at[pl.ds(off, G), pl.ds(0, D)], ssem)

        for b in range(LAG):
            gather_desc(b, b).start()

        def step(j, slot):
            @pl.when(j >= LAG)
            def _():
                scat_desc(j - LAG, (slot + LAG) % NBUF).wait()

            @pl.when(j + LAG < ng)
            def _():
                gather_desc(j + LAG, (slot + LAG) % NBUF).start()

            gather_desc(j, slot).wait()
            scat_desc(j, slot).start()

        def outer(i, carry):
            g = i * NBUF
            for b in range(NBUF):
                step(g + b, b)
            return carry

        lax.fori_loop(0, ng // NBUF, outer, 0)
        for j in range(ng - LAG, ng):
            scat_desc(j, j % NBUF).wait()

    return kg


def kernel(items, table):
    B, T = items.shape
    V, D = table.shape
    DP = 128
    n = B * T
    per_w = n // _NW
    G = 128
    assert n % (_NW * G) == 0 and (per_w // G) % 8 == 0 and (V * D) % DP == 0

    table_c = jax.lax.optimization_barrier(table.T).T
    idx = items.reshape(_NW, per_w // G, G).astype(jnp.int32)
    out = _make_sc_gather(n, V, D, DP)(idx, table_c)
    return out[:, :D].reshape(B, T, D)

# --- scband reference (transcript-rebuilt; emitter-appended) ---
"""Pipeline reference for scband-categorical-encoding-3831110828753 (READ-ONLY COPY).

The authoritative reference and input builder live on the scoring server;
editing this copy changes nothing except your own understanding.
"""

import jax, jax.numpy as jnp
import numpy as np

VOCAB = 1000000
EMBED_DIM = 64
BATCH = 4096
TIMESTEPS = 200


def setup_inputs(seed: int = 0) -> dict:
    key = jax.random.key(seed)
    k_items, k_table = jax.random.split(key)
    items = jax.random.randint(k_items, (BATCH, TIMESTEPS), 0, VOCAB, dtype=jnp.int64 if jax.config.jax_enable_x64 else jnp.int32)
    # torch.nn.Embedding default init: N(0, 1)
    table = jax.random.normal(k_table, (VOCAB, EMBED_DIM), dtype=jnp.float32)
    return {"items": items, "table": table}


def reference(items, table):
    # Embedding lookup: (B, T) int ids -> (B, T, D) embeddings
    return jnp.take(table, items, axis=0)

if __name__ == "__main__":
    import jax
    _d = setup_inputs()
    print(jax.jit(kernel)(*tuple(_d.values())))

</pallas_src>

<mosaic_0001>
#map = affine_map<(d0, d1) -> (0, 0, 0)>
#map1 = affine_map<(d0, d1) -> (0, 0)>
module attributes {stable_mosaic.version = 14 : i64} {
  func.func @kg(%arg0: i32, %arg1: i32, %arg2: memref<32x200x128xi32, #tpu.memory_space<hbm>>, %arg3: memref<1000000x64xf32, #tpu.memory_space<hbm>>, %arg4: memref<819200x128xf32, #tpu.memory_space<hbm>>, %arg5: memref<200x128xi32, #tpu.memory_space<vmem>>, %arg6: memref<8x128x64xf32, #tpu.memory_space<vmem>>, %arg7: memref<!tpu.dma_semaphore, #tpu.memory_space<semaphore_mem>>, %arg8: memref<!tpu.dma_semaphore, #tpu.memory_space<semaphore_mem>>) attributes {dimension_semantics = [#tpu.dimension_semantics<core_parallel>, #tpu.dimension_semantics<subcore_parallel>], iteration_bounds = array<i64: 2, 16>, scalar_prefetch = 0 : i64, scratch_operands = 4 : i64, tpu.core_type = #tpu.core_type<sc_vector_subcore>, window_params = [{transform_indices = #map}, {transform_indices = #map1}, {transform_indices = #map1}]} {
    %mul3A = arith.constant 2 : i32
    %mul3A_0 = arith.muli %arg1, %mul3A : i32
    %add3A = arith.addi %mul3A_0, %arg0 : i32
    %mul3A_1 = arith.constant 25600 : i32
    %mul3A_2 = arith.muli %add3A, %mul3A_1 : i32
    %multiple_of3A = tpu.assume_multiple %mul3A_2, 25600 : i32
    "tpu.region"() ({
      %run_scoped3A = tpu.sem_alloc : memref<!tpu.dma_semaphore, #tpu.memory_space<semaphore_mem>>
      %dma_start3A_118 = arith.constant 0 : i32
      %dma_start3A_119 = arith.constant 0 : i32
      %dma_start3A_120 = tpu.memref_slice %arg2[%add3A, %dma_start3A_118, %dma_start3A_119] : memref<32x200x128xi32, #tpu.memory_space<hbm>> -> memref<1x200x128xi32, #tpu.memory_space<hbm>>
      %dma_start3A_121 = tpu.memref_squeeze %dma_start3A_120 : memref<1x200x128xi32, #tpu.memory_space<hbm>> -> memref<200x128xi32, #tpu.memory_space<hbm>>
      %dma_start3A_122 = arith.constant 0 : i32
      %dma_start3A_123 = arith.constant 0 : i32
      %dma_start3A_124 = tpu.memref_slice %arg2[%add3A, %dma_start3A_122, %dma_start3A_123] : memref<32x200x128xi32, #tpu.memory_space<hbm>> -> memref<1x200x128xi32, #tpu.memory_space<hbm>>
      %dma_start3A_125 = tpu.memref_squeeze %dma_start3A_124 : memref<1x200x128xi32, #tpu.memory_space<hbm>> -> memref<200x128xi32, #tpu.memory_space<hbm>>
      tpu.enqueue_dma source(%dma_start3A_125 : memref<200x128xi32, #tpu.memory_space<hbm>>) target(%arg5 : memref<200x128xi32, #tpu.memory_space<vmem>>) target_semaphore(%run_scoped3A : memref<!tpu.dma_semaphore, #tpu.memory_space<semaphore_mem>>)
      %dma_wait3A_126 = arith.constant 0 : i32
      %dma_wait3A_127 = arith.constant 0 : i32
      %dma_wait3A_128 = tpu.memref_slice %arg2[%add3A, %dma_wait3A_126, %dma_wait3A_127] : memref<32x200x128xi32, #tpu.memory_space<hbm>> -> memref<1x200x128xi32, #tpu.memory_space<hbm>>
      %dma_wait3A_129 = tpu.memref_squeeze %dma_wait3A_128 : memref<1x200x128xi32, #tpu.memory_space<hbm>> -> memref<200x128xi32, #tpu.memory_space<hbm>>
      %dma_wait3A_130 = arith.constant 0 : i32
      %dma_wait3A_131 = arith.constant 0 : i32
      %dma_wait3A_132 = tpu.memref_slice %arg2[%add3A, %dma_wait3A_130, %dma_wait3A_131] : memref<32x200x128xi32, #tpu.memory_space<hbm>> -> memref<1x200x128xi32, #tpu.memory_space<hbm>>
      %dma_wait3A_133 = tpu.memref_squeeze %dma_wait3A_132 : memref<1x200x128xi32, #tpu.memory_space<hbm>> -> memref<200x128xi32, #tpu.memory_space<hbm>>
      tpu.wait_dma2 semaphore(%run_scoped3A : memref<!tpu.dma_semaphore, #tpu.memory_space<semaphore_mem>>) src(%dma_wait3A_133 : memref<200x128xi32, #tpu.memory_space<hbm>>) dst(%arg5 : memref<200x128xi32, #tpu.memory_space<vmem>>)
      tpu.yield
    }) : () -> ()
    %dma_start3A = arith.constant 0 : i32
    %dma_start3A_3 = arith.constant 0 : i32
    %dma_start3A_4 = arith.constant 0 : i32
    %dma_start3A_5 = arith.constant 0 : i32
    %dma_start3A_6 = tpu.memref_slice %arg6[%dma_start3A_3, %dma_start3A_4, %dma_start3A_5] : memref<8x128x64xf32, #tpu.memory_space<vmem>> -> memref<1x128x64xf32, #tpu.memory_space<vmem>>
    %dma_start3A_7 = tpu.memref_squeeze %dma_start3A_6 : memref<1x128x64xf32, #tpu.memory_space<vmem>> -> memref<128x64xf32, #tpu.memory_space<vmem>>
    %dma_start3A_8 = arith.constant 0 : i32
    %dma_start3A_9 = tpu.memref_slice %arg5[%dma_start3A, %dma_start3A_8] : memref<200x128xi32, #tpu.memory_space<vmem>> -> memref<1x128xi32, #tpu.memory_space<vmem>>
    %dma_start3A_10 = tpu.memref_squeeze %dma_start3A_9 : memref<1x128xi32, #tpu.memory_space<vmem>> -> memref<128xi32, #tpu.memory_space<vmem>>
    %dma_start3A_11 = arith.constant 0 : i32
    %dma_start3A_12 = arith.constant 0 : i32
    %dma_start3A_13 = tpu.memref_slice %arg3[%dma_start3A_11, %dma_start3A_12] : memref<1000000x64xf32, #tpu.memory_space<hbm>> -> memref<1000000x64xf32, #tpu.memory_space<hbm>>
    tpu.enqueue_indirect_dma source(%dma_start3A_13 : memref<1000000x64xf32, #tpu.memory_space<hbm>>) target(%dma_start3A_7 : memref<128x64xf32, #tpu.memory_space<vmem>>) offsets(%dma_start3A_10 : memref<128xi32, #tpu.memory_space<vmem>>) semaphore(%arg7 : memref<!tpu.dma_semaphore, #tpu.memory_space<semaphore_mem>>)
    %dma_start3A_14 = arith.constant 1 : i32
    %dma_start3A_15 = arith.constant 1 : i32
    %dma_start3A_16 = arith.constant 0 : i32
    %dma_start3A_17 = arith.constant 0 : i32
    %dma_start3A_18 = tpu.memref_slice %arg6[%dma_start3A_15, %dma_start3A_16, %dma_start3A_17] : memref<8x128x64xf32, #tpu.memory_space<vmem>> -> memref<1x128x64xf32, #tpu.memory_space<vmem>>
    %dma_start3A_19 = tpu.memref_squeeze %dma_start3A_18 : memref<1x128x64xf32, #tpu.memory_space<vmem>> -> memref<128x64xf32, #tpu.memory_space<vmem>>
    %dma_start3A_20 = arith.constant 0 : i32
    %dma_start3A_21 = tpu.memref_slice %arg5[%dma_start3A_14, %dma_start3A_20] : memref<200x128xi32, #tpu.memory_space<vmem>> -> memref<1x128xi32, #tpu.memory_space<vmem>>
    %dma_start3A_22 = tpu.memref_squeeze %dma_start3A_21 : memref<1x128xi32, #tpu.memory_space<vmem>> -> memref<128xi32, #tpu.memory_space<vmem>>
    %dma_start3A_23 = arith.constant 0 : i32
    %dma_start3A_24 = arith.constant 0 : i32
    %dma_start3A_25 = tpu.memref_slice %arg3[%dma_start3A_23, %dma_start3A_24] : memref<1000000x64xf32, #tpu.memory_space<hbm>> -> memref<1000000x64xf32, #tpu.memory_space<hbm>>
    tpu.enqueue_indirect_dma source(%dma_start3A_25 : memref<1000000x64xf32, #tpu.memory_space<hbm>>) target(%dma_start3A_19 : memref<128x64xf32, #tpu.memory_space<vmem>>) offsets(%dma_start3A_22 : memref<128xi32, #tpu.memory_space<vmem>>) semaphore(%arg7 : memref<!tpu.dma_semaphore, #tpu.memory_space<semaphore_mem>>)
    %dma_start3A_26 = arith.constant 2 : i32
    %dma_start3A_27 = arith.constant 2 : i32
    %dma_start3A_28 = arith.constant 0 : i32
    %dma_start3A_29 = arith.constant 0 : i32
    %dma_start3A_30 = tpu.memref_slice %arg6[%dma_start3A_27, %dma_start3A_28, %dma_start3A_29] : memref<8x128x64xf32, #tpu.memory_space<vmem>> -> memref<1x128x64xf32, #tpu.memory_space<vmem>>
    %dma_start3A_31 = tpu.memref_squeeze %dma_start3A_30 : memref<1x128x64xf32, #tpu.memory_space<vmem>> -> memref<128x64xf32, #tpu.memory_space<vmem>>
    %dma_start3A_32 = arith.constant 0 : i32
    %dma_start3A_33 = tpu.memref_slice %arg5[%dma_start3A_26, %dma_start3A_32] : memref<200x128xi32, #tpu.memory_space<vmem>> -> memref<1x128xi32, #tpu.memory_space<vmem>>
    %dma_start3A_34 = tpu.memref_squeeze %dma_start3A_33 : memref<1x128xi32, #tpu.memory_space<vmem>> -> memref<128xi32, #tpu.memory_space<vmem>>
    %dma_start3A_35 = arith.constant 0 : i32
    %dma_start3A_36 = arith.constant 0 : i32
    %dma_start3A_37 = tpu.memref_slice %arg3[%dma_start3A_35, %dma_start3A_36] : memref<1000000x64xf32, #tpu.memory_space<hbm>> -> memref<1000000x64xf32, #tpu.memory_space<hbm>>
    tpu.enqueue_indirect_dma source(%dma_start3A_37 : memref<1000000x64xf32, #tpu.memory_space<hbm>>) target(%dma_start3A_31 : memref<128x64xf32, #tpu.memory_space<vmem>>) offsets(%dma_start3A_34 : memref<128xi32, #tpu.memory_space<vmem>>) semaphore(%arg7 : memref<!tpu.dma_semaphore, #tpu.memory_space<semaphore_mem>>)
    %dma_start3A_38 = arith.constant 3 : i32
    %dma_start3A_39 = arith.constant 3 : i32
    %dma_start3A_40 = arith.constant 0 : i32
    %dma_start3A_41 = arith.constant 0 : i32
    %dma_start3A_42 = tpu.memref_slice %arg6[%dma_start3A_39, %dma_start3A_40, %dma_start3A_41] : memref<8x128x64xf32, #tpu.memory_space<vmem>> -> memref<1x128x64xf32, #tpu.memory_space<vmem>>
    %dma_start3A_43 = tpu.memref_squeeze %dma_start3A_42 : memref<1x128x64xf32, #tpu.memory_space<vmem>> -> memref<128x64xf32, #tpu.memory_space<vmem>>
    %dma_start3A_44 = arith.constant 0 : i32
    %dma_start3A_45 = tpu.memref_slice %arg5[%dma_start3A_38, %dma_start3A_44] : memref<200x128xi32, #tpu.memory_space<vmem>> -> memref<1x128xi32, #tpu.memory_space<vmem>>
    %dma_start3A_46 = tpu.memref_squeeze %dma_start3A_45 : memref<1x128xi32, #tpu.memory_space<vmem>> -> memref<128xi32, #tpu.memory_space<vmem>>
    %dma_start3A_47 = arith.constant 0 : i32
    %dma_start3A_48 = arith.constant 0 : i32
    %dma_start3A_49 = tpu.memref_slice %arg3[%dma_start3A_47, %dma_start3A_48] : memref<1000000x64xf32, #tpu.memory_space<hbm>> -> memref<1000000x64xf32, #tpu.memory_space<hbm>>
    tpu.enqueue_indirect_dma source(%dma_start3A_49 : memref<1000000x64xf32, #tpu.memory_space<hbm>>) target(%dma_start3A_43 : memref<128x64xf32, #tpu.memory_space<vmem>>) offsets(%dma_start3A_46 : memref<128xi32, #tpu.memory_space<vmem>>) semaphore(%arg7 : memref<!tpu.dma_semaphore, #tpu.memory_space<semaphore_mem>>)
    %scan3A = arith.constant 0 : i32
    %scan3A_50 = arith.constant 0 : i32
    %scan3A_51 = arith.constant 25 : i32
    %scan3A_52 = arith.addi %scan3A_50, %scan3A_51 : i32
    %scan3A_53 = arith.constant 1 : i32
    scf.for %scan3A_118 = %scan3A_50 to %scan3A_52 step %scan3A_53  : i32 {
      %mul3A_119 = arith.constant 8 : i32
      %mul3A_120 = arith.muli %scan3A_118, %mul3A_119 : i32
      %add3A_121 = arith.constant 0 : i32
      %add3A_122 = arith.addi %mul3A_120, %add3A_121 : i32
      %ge3A = arith.constant 4 : i32
      %ge3A_123 = arith.cmpi sge, %add3A_122, %ge3A : i32
      %convert_element_type3A = arith.extui %ge3A_123 : i1 to i32
      %cond3A = arith.constant 0 : i32
      %cond3A_124 = arith.cmpi ne, %convert_element_type3A, %cond3A : i32
      scf.if %cond3A_124 {
        %sub3A = arith.constant 4 : i32
        %sub3A_453 = arith.subi %add3A_122, %sub3A : i32
        %mul3A_454 = arith.constant 128 : i32
        %mul3A_455 = arith.muli %sub3A_453, %mul3A_454 : i32
        %add3A_456 = arith.addi %multiple_of3A, %mul3A_455 : i32
        %multiple_of3A_457 = tpu.assume_multiple %add3A_456, 128 : i32
        %dma_wait3A_458 = arith.constant 4 : i32
        %dma_wait3A_459 = arith.constant 0 : i32
        %dma_wait3A_460 = arith.constant 0 : i32
        %dma_wait3A_461 = tpu.memref_slice %arg6[%dma_wait3A_458, %dma_wait3A_459, %dma_wait3A_460] : memref<8x128x64xf32, #tpu.memory_space<vmem>> -> memref<1x128x64xf32, #tpu.memory_space<vmem>>
        %dma_wait3A_462 = tpu.memref_squeeze %dma_wait3A_461 : memref<1x128x64xf32, #tpu.memory_space<vmem>> -> memref<128x64xf32, #tpu.memory_space<vmem>>
        %dma_wait3A_463 = arith.constant 0 : i32
        %dma_wait3A_464 = tpu.memref_slice %arg4[%multiple_of3A_457, %dma_wait3A_463] : memref<819200x128xf32, #tpu.memory_space<hbm>> -> memref<128x64xf32, #tpu.memory_space<hbm>>
        %dma_wait3A_465 = arith.constant 0 : i32
        %dma_wait3A_466 = tpu.memref_slice %arg4[%multiple_of3A_457, %dma_wait3A_465] : memref<819200x128xf32, #tpu.memory_space<hbm>> -> memref<128x64xf32, #tpu.memory_space<hbm>>
        %dma_wait3A_467 = arith.constant 0 : i32
        %dma_wait3A_468 = arith.constant 0 : i32
        %dma_wait3A_469 = tpu.memref_slice %arg6[%dma_wait3A_458, %dma_wait3A_467, %dma_wait3A_468] : memref<8x128x64xf32, #tpu.memory_space<vmem>> -> memref<1x128x64xf32, #tpu.memory_space<vmem>>
        %dma_wait3A_470 = tpu.memref_squeeze %dma_wait3A_469 : memref<1x128x64xf32, #tpu.memory_space<vmem>> -> memref<128x64xf32, #tpu.memory_space<vmem>>
        tpu.wait_dma2 semaphore(%arg8 : memref<!tpu.dma_semaphore, #tpu.memory_space<semaphore_mem>>) src(%dma_wait3A_470 : memref<128x64xf32, #tpu.memory_space<vmem>>) dst(%dma_wait3A_466 : memref<128x64xf32, #tpu.memory_space<hbm>>)
      } else {
      }
      %add3A_125 = arith.constant 4 : i32
      %add3A_126 = arith.addi %add3A_122, %add3A_125 : i32
      %lt3A = arith.constant 200 : i32
      %lt3A_127 = arith.cmpi slt, %add3A_126, %lt3A : i32
      %convert_element_type3A_128 = arith.extui %lt3A_127 : i1 to i32
      %cond3A_129 = arith.constant 0 : i32
      %cond3A_130 = arith.cmpi ne, %convert_element_type3A_128, %cond3A_129 : i32
      scf.if %cond3A_130 {
        %add3A_453 = arith.constant 4 : i32
        %add3A_454 = arith.addi %add3A_122, %add3A_453 : i32
        %dma_start3A_455 = arith.constant 4 : i32
        %dma_start3A_456 = arith.constant 0 : i32
        %dma_start3A_457 = arith.constant 0 : i32
        %dma_start3A_458 = tpu.memref_slice %arg6[%dma_start3A_455, %dma_start3A_456, %dma_start3A_457] : memref<8x128x64xf32, #tpu.memory_space<vmem>> -> memref<1x128x64xf32, #tpu.memory_space<vmem>>
        %dma_start3A_459 = tpu.memref_squeeze %dma_start3A_458 : memref<1x128x64xf32, #tpu.memory_space<vmem>> -> memref<128x64xf32, #tpu.memory_space<vmem>>
        %dma_start3A_460 = arith.constant 0 : i32
        %dma_start3A_461 = tpu.memref_slice %arg5[%add3A_454, %dma_start3A_460] : memref<200x128xi32, #tpu.memory_space<vmem>> -> memref<1x128xi32, #tpu.memory_space<vmem>>
        %dma_start3A_462 = tpu.memref_squeeze %dma_start3A_461 : memref<1x128xi32, #tpu.memory_space<vmem>> -> memref<128xi32, #tpu.memory_space<vmem>>
        %dma_start3A_463 = arith.constant 0 : i32
        %dma_start3A_464 = arith.constant 0 : i32
        %dma_start3A_465 = tpu.memref_slice %arg3[%dma_start3A_463, %dma_start3A_464] : memref<1000000x64xf32, #tpu.memory_space<hbm>> -> memref<1000000x64xf32, #tpu.memory_space<hbm>>
        tpu.enqueue_indirect_dma source(%dma_start3A_465 : memref<1000000x64xf32, #tpu.memory_space<hbm>>) target(%dma_start3A_459 : memref<128x64xf32, #tpu.memory_space<vmem>>) offsets(%dma_start3A_462 : memref<128xi32, #tpu.memory_space<vmem>>) semaphore(%arg7 : memref<!tpu.dma_semaphore, #tpu.memory_space<semaphore_mem>>)
      } else {
      }
      %dma_wait3A_131 = arith.constant 0 : i32
      %dma_wait3A_132 = arith.constant 0 : i32
      %dma_wait3A_133 = arith.constant 0 : i32
      %dma_wait3A_134 = tpu.memref_slice %arg6[%dma_wait3A_131, %dma_wait3A_132, %dma_wait3A_133] : memref<8x128x64xf32, #tpu.memory_space<vmem>> -> memref<1x128x64xf32, #tpu.memory_space<vmem>>
      %dma_wait3A_135 = tpu.memref_squeeze %dma_wait3A_134 : memref<1x128x64xf32, #tpu.memory_space<vmem>> -> memref<128x64xf32, #tpu.memory_space<vmem>>
      %dma_wait3A_136 = arith.constant 0 : i32
      %dma_wait3A_137 = tpu.memref_slice %arg5[%add3A_122, %dma_wait3A_136] : memref<200x128xi32, #tpu.memory_space<vmem>> -> memref<1x128xi32, #tpu.memory_space<vmem>>
      %dma_wait3A_138 = tpu.memref_squeeze %dma_wait3A_137 : memref<1x128xi32, #tpu.memory_space<vmem>> -> memref<128xi32, #tpu.memory_space<vmem>>
      %dma_wait3A_139 = arith.constant 0 : i32
      %dma_wait3A_140 = arith.constant 0 : i32
      %dma_wait3A_141 = tpu.memref_slice %arg3[%dma_wait3A_139, %dma_wait3A_140] : memref<1000000x64xf32, #tpu.memory_space<hbm>> -> memref<1000000x64xf32, #tpu.memory_space<hbm>>
      tpu.wait_indirect_dma semaphore(%arg7 : memref<!tpu.dma_semaphore, #tpu.memory_space<semaphore_mem>>) src(%dma_wait3A_141 : memref<1000000x64xf32, #tpu.memory_space<hbm>>) dst(%dma_wait3A_135 : memref<128x64xf32, #tpu.memory_space<vmem>>)
      %mul3A_142 = arith.constant 128 : i32
      %mul3A_143 = arith.muli %add3A_122, %mul3A_142 : i32
      %add3A_144 = arith.addi %multiple_of3A, %mul3A_143 : i32
      %multiple_of3A_145 = tpu.assume_multiple %add3A_144, 128 : i32
      %dma_start3A_146 = arith.constant 0 : i32
      %dma_start3A_147 = arith.constant 0 : i32
      %dma_start3A_148 = arith.constant 0 : i32
      %dma_start3A_149 = tpu.memref_slice %arg6[%dma_start3A_146, %dma_start3A_147, %dma_start3A_148] : memref<8x128x64xf32, #tpu.memory_space<vmem>> -> memref<1x128x64xf32, #tpu.memory_space<vmem>>
      %dma_start3A_150 = tpu.memref_squeeze %dma_start3A_149 : memref<1x128x64xf32, #tpu.memory_space<vmem>> -> memref<128x64xf32, #tpu.memory_space<vmem>>
      %dma_start3A_151 = arith.constant 0 : i32
      %dma_start3A_152 = tpu.memref_slice %arg4[%multiple_of3A_145, %dma_start3A_151] : memref<819200x128xf32, #tpu.memory_space<hbm>> -> memref<128x64xf32, #tpu.memory_space<hbm>>
      %dma_start3A_153 = arith.constant 0 : i32
      %dma_start3A_154 = tpu.memref_slice %arg4[%multiple_of3A_145, %dma_start3A_153] : memref<819200x128xf32, #tpu.memory_space<hbm>> -> memref<128x64xf32, #tpu.memory_space<hbm>>
      %dma_start3A_155 = arith.constant 0 : i32
      %dma_start3A_156 = arith.constant 0 : i32
      %dma_start3A_157 = tpu.memref_slice %arg6[%dma_start3A_146, %dma_start3A_155, %dma_start3A_156] : memref<8x128x64xf32, #tpu.memory_space<vmem>> -> memref<1x128x64xf32, #tpu.memory_space<vmem>>
      %dma_start3A_158 = tpu.memref_squeeze %dma_start3A_157 : memref<1x128x64xf32, #tpu.memory_space<vmem>> -> memref<128x64xf32, #tpu.memory_space<vmem>>
      tpu.enqueue_dma source(%dma_start3A_158 : memref<128x64xf32, #tpu.memory_space<vmem>>) target(%dma_start3A_154 : memref<128x64xf32, #tpu.memory_space<hbm>>) target_semaphore(%arg8 : memref<!tpu.dma_semaphore, #tpu.memory_space<semaphore_mem>>)
      %add3A_159 = arith.constant 1 : i32
      %add3A_160 = arith.addi %mul3A_120, %add3A_159 : i32
      %ge3A_161 = arith.constant 4 : i32
      %ge3A_162 = arith.cmpi sge, %add3A_160, %ge3A_161 : i32
      %convert_element_type3A_163 = arith.extui %ge3A_162 : i1 to i32
      %cond3A_164 = arith.constant 0 : i32
      %cond3A_165 = arith.cmpi ne, %convert_element_type3A_163, %cond3A_164 : i32
      scf.if %cond3A_165 {
        %sub3A = arith.constant 4 : i32
        %sub3A_453 = arith.subi %add3A_160, %sub3A : i32
        %mul3A_454 = arith.constant 128 : i32
        %mul3A_455 = arith.muli %sub3A_453, %mul3A_454 : i32
        %add3A_456 = arith.addi %multiple_of3A, %mul3A_455 : i32
        %multiple_of3A_457 = tpu.assume_multiple %add3A_456, 128 : i32
        %dma_wait3A_458 = arith.constant 5 : i32
        %dma_wait3A_459 = arith.constant 0 : i32
        %dma_wait3A_460 = arith.constant 0 : i32
        %dma_wait3A_461 = tpu.memref_slice %arg6[%dma_wait3A_458, %dma_wait3A_459, %dma_wait3A_460] : memref<8x128x64xf32, #tpu.memory_space<vmem>> -> memref<1x128x64xf32, #tpu.memory_space<vmem>>
        %dma_wait3A_462 = tpu.memref_squeeze %dma_wait3A_461 : memref<1x128x64xf32, #tpu.memory_space<vmem>> -> memref<128x64xf32, #tpu.memory_space<vmem>>
        %dma_wait3A_463 = arith.constant 0 : i32
        %dma_wait3A_464 = tpu.memref_slice %arg4[%multiple_of3A_457, %dma_wait3A_463] : memref<819200x128xf32, #tpu.memory_space<hbm>> -> memref<128x64xf32, #tpu.memory_space<hbm>>
        %dma_wait3A_465 = arith.constant 0 : i32
        %dma_wait3A_466 = tpu.memref_slice %arg4[%multiple_of3A_457, %dma_wait3A_465] : memref<819200x128xf32, #tpu.memory_space<hbm>> -> memref<128x64xf32, #tpu.memory_space<hbm>>
        %dma_wait3A_467 = arith.constant 0 : i32
        %dma_wait3A_468 = arith.constant 0 : i32
        %dma_wait3A_469 = tpu.memref_slice %arg6[%dma_wait3A_458, %dma_wait3A_467, %dma_wait3A_468] : memref<8x128x64xf32, #tpu.memory_space<vmem>> -> memref<1x128x64xf32, #tpu.memory_space<vmem>>
        %dma_wait3A_470 = tpu.memref_squeeze %dma_wait3A_469 : memref<1x128x64xf32, #tpu.memory_space<vmem>> -> memref<128x64xf32, #tpu.memory_space<vmem>>
        tpu.wait_dma2 semaphore(%arg8 : memref<!tpu.dma_semaphore, #tpu.memory_space<semaphore_mem>>) src(%dma_wait3A_470 : memref<128x64xf32, #tpu.memory_space<vmem>>) dst(%dma_wait3A_466 : memref<128x64xf32, #tpu.memory_space<hbm>>)
      } else {
      }
      %add3A_166 = arith.constant 4 : i32
      %add3A_167 = arith.addi %add3A_160, %add3A_166 : i32
      %lt3A_168 = arith.constant 200 : i32
      %lt3A_169 = arith.cmpi slt, %add3A_167, %lt3A_168 : i32
      %convert_element_type3A_170 = arith.extui %lt3A_169 : i1 to i32
      %cond3A_171 = arith.constant 0 : i32
      %cond3A_172 = arith.cmpi ne, %convert_element_type3A_170, %cond3A_171 : i32
      scf.if %cond3A_172 {
        %add3A_453 = arith.constant 4 : i32
        %add3A_454 = arith.addi %add3A_160, %add3A_453 : i32
        %dma_start3A_455 = arith.constant 5 : i32
        %dma_start3A_456 = arith.constant 0 : i32
        %dma_start3A_457 = arith.constant 0 : i32
        %dma_start3A_458 = tpu.memref_slice %arg6[%dma_start3A_455, %dma_start3A_456, %dma_start3A_457] : memref<8x128x64xf32, #tpu.memory_space<vmem>> -> memref<1x128x64xf32, #tpu.memory_space<vmem>>
        %dma_start3A_459 = tpu.memref_squeeze %dma_start3A_458 : memref<1x128x64xf32, #tpu.memory_space<vmem>> -> memref<128x64xf32, #tpu.memory_space<vmem>>
        %dma_start3A_460 = arith.constant 0 : i32
        %dma_start3A_461 = tpu.memref_slice %arg5[%add3A_454, %dma_start3A_460] : memref<200x128xi32, #tpu.memory_space<vmem>> -> memref<1x128xi32, #tpu.memory_space<vmem>>
        %dma_start3A_462 = tpu.memref_squeeze %dma_start3A_461 : memref<1x128xi32, #tpu.memory_space<vmem>> -> memref<128xi32, #tpu.memory_space<vmem>>
        %dma_start3A_463 = arith.constant 0 : i32
        %dma_start3A_464 = arith.constant 0 : i32
        %dma_start3A_465 = tpu.memref_slice %arg3[%dma_start3A_463, %dma_start3A_464] : memref<1000000x64xf32, #tpu.memory_space<hbm>> -> memref<1000000x64xf32, #tpu.memory_space<hbm>>
        tpu.enqueue_indirect_dma source(%dma_start3A_465 : memref<1000000x64xf32, #tpu.memory_space<hbm>>) target(%dma_start3A_459 : memref<128x64xf32, #tpu.memory_space<vmem>>) offsets(%dma_start3A_462 : memref<128xi32, #tpu.memory_space<vmem>>) semaphore(%arg7 : memref<!tpu.dma_semaphore, #tpu.memory_space<semaphore_mem>>)
      } else {
      }
      %dma_wait3A_173 = arith.constant 1 : i32
      %dma_wait3A_174 = arith.constant 0 : i32
      %dma_wait3A_175 = arith.constant 0 : i32
      %dma_wait3A_176 = tpu.memref_slice %arg6[%dma_wait3A_173, %dma_wait3A_174, %dma_wait3A_175] : memref<8x128x64xf32, #tpu.memory_space<vmem>> -> memref<1x128x64xf32, #tpu.memory_space<vmem>>
      %dma_wait3A_177 = tpu.memref_squeeze %dma_wait3A_176 : memref<1x128x64xf32, #tpu.memory_space<vmem>> -> memref<128x64xf32, #tpu.memory_space<vmem>>
      %dma_wait3A_178 = arith.constant 0 : i32
      %dma_wait3A_179 = tpu.memref_slice %arg5[%add3A_160, %dma_wait3A_178] : memref<200x128xi32, #tpu.memory_space<vmem>> -> memref<1x128xi32, #tpu.memory_space<vmem>>
      %dma_wait3A_180 = tpu.memref_squeeze %dma_wait3A_179 : memref<1x128xi32, #tpu.memory_space<vmem>> -> memref<128xi32, #tpu.memory_space<vmem>>
      %dma_wait3A_181 = arith.constant 0 : i32
      %dma_wait3A_182 = arith.constant 0 : i32
      %dma_wait3A_183 = tpu.memref_slice %arg3[%dma_wait3A_181, %dma_wait3A_182] : memref<1000000x64xf32, #tpu.memory_space<hbm>> -> memref<1000000x64xf32, #tpu.memory_space<hbm>>
      tpu.wait_indirect_dma semaphore(%arg7 : memref<!tpu.dma_semaphore, #tpu.memory_space<semaphore_mem>>) src(%dma_wait3A_183 : memref<1000000x64xf32, #tpu.memory_space<hbm>>) dst(%dma_wait3A_177 : memref<128x64xf32, #tpu.memory_space<vmem>>)
      %mul3A_184 = arith.constant 128 : i32
      %mul3A_185 = arith.muli %add3A_160, %mul3A_184 : i32
      %add3A_186 = arith.addi %multiple_of3A, %mul3A_185 : i32
      %multiple_of3A_187 = tpu.assume_multiple %add3A_186, 128 : i32
      %dma_start3A_188 = arith.constant 1 : i32
      %dma_start3A_189 = arith.constant 0 : i32
      %dma_start3A_190 = arith.constant 0 : i32
      %dma_start3A_191 = tpu.memref_slice %arg6[%dma_start3A_188, %dma_start3A_189, %dma_start3A_190] : memref<8x128x64xf32, #tpu.memory_space<vmem>> -> memref<1x128x64xf32, #tpu.memory_space<vmem>>
      %dma_start3A_192 = tpu.memref_squeeze %dma_start3A_191 : memref<1x128x64xf32, #tpu.memory_space<vmem>> -> memref<128x64xf32, #tpu.memory_space<vmem>>
      %dma_start3A_193 = arith.constant 0 : i32
      %dma_start3A_194 = tpu.memref_slice %arg4[%multiple_of3A_187, %dma_start3A_193] : memref<819200x128xf32, #tpu.memory_space<hbm>> -> memref<128x64xf32, #tpu.memory_space<hbm>>
      %dma_start3A_195 = arith.constant 0 : i32
      %dma_start3A_196 = tpu.memref_slice %arg4[%multiple_of3A_187, %dma_start3A_195] : memref<819200x128xf32, #tpu.memory_space<hbm>> -> memref<128x64xf32, #tpu.memory_space<hbm>>
      %dma_start3A_197 = arith.constant 0 : i32
      %dma_start3A_198 = arith.constant 0 : i32
      %dma_start3A_199 = tpu.memref_slice %arg6[%dma_start3A_188, %dma_start3A_197, %dma_start3A_198] : memref<8x128x64xf32, #tpu.memory_space<vmem>> -> memref<1x128x64xf32, #tpu.memory_space<vmem>>
      %dma_start3A_200 = tpu.memref_squeeze %dma_start3A_199 : memref<1x128x64xf32, #tpu.memory_space<vmem>> -> memref<128x64xf32, #tpu.memory_space<vmem>>
      tpu.enqueue_dma source(%dma_start3A_200 : memref<128x64xf32, #tpu.memory_space<vmem>>) target(%dma_start3A_196 : memref<128x64xf32, #tpu.memory_space<hbm>>) target_semaphore(%arg8 : memref<!tpu.dma_semaphore, #tpu.memory_space<semaphore_mem>>)
      %add3A_201 = arith.constant 2 : i32
      %add3A_202 = arith.addi %mul3A_120, %add3A_201 : i32
      %ge3A_203 = arith.constant 4 : i32
      %ge3A_204 = arith.cmpi sge, %add3A_202, %ge3A_203 : i32
      %convert_element_type3A_205 = arith.extui %ge3A_204 : i1 to i32
      %cond3A_206 = arith.constant 0 : i32
      %cond3A_207 = arith.cmpi ne, %convert_element_type3A_205, %cond3A_206 : i32
      scf.if %cond3A_207 {
        %sub3A = arith.constant 4 : i32
        %sub3A_453 = arith.subi %add3A_202, %sub3A : i32
        %mul3A_454 = arith.constant 128 : i32
        %mul3A_455 = arith.muli %sub3A_453, %mul3A_454 : i32
        %add3A_456 = arith.addi %multiple_of3A, %mul3A_455 : i32
        %multiple_of3A_457 = tpu.assume_multiple %add3A_456, 128 : i32
        %dma_wait3A_458 = arith.constant 6 : i32
        %dma_wait3A_459 = arith.constant 0 : i32
        %dma_wait3A_460 = arith.constant 0 : i32
        %dma_wait3A_461 = tpu.memref_slice %arg6[%dma_wait3A_458, %dma_wait3A_459, %dma_wait3A_460] : memref<8x128x64xf32, #tpu.memory_space<vmem>> -> memref<1x128x64xf32, #tpu.memory_space<vmem>>
        %dma_wait3A_462 = tpu.memref_squeeze %dma_wait3A_461 : memref<1x128x64xf32, #tpu.memory_space<vmem>> -> memref<128x64xf32, #tpu.memory_space<vmem>>
        %dma_wait3A_463 = arith.constant 0 : i32
        %dma_wait3A_464 = tpu.memref_slice %arg4[%multiple_of3A_457, %dma_wait3A_463] : memref<819200x128xf32, #tpu.memory_space<hbm>> -> memref<128x64xf32, #tpu.memory_space<hbm>>
        %dma_wait3A_465 = arith.constant 0 : i32
        %dma_wait3A_466 = tpu.memref_slice %arg4[%multiple_of3A_457, %dma_wait3A_465] : memref<819200x128xf32, #tpu.memory_space<hbm>> -> memref<128x64xf32, #tpu.memory_space<hbm>>
        %dma_wait3A_467 = arith.constant 0 : i32
        %dma_wait3A_468 = arith.constant 0 : i32
        %dma_wait3A_469 = tpu.memref_slice %arg6[%dma_wait3A_458, %dma_wait3A_467, %dma_wait3A_468] : memref<8x128x64xf32, #tpu.memory_space<vmem>> -> memref<1x128x64xf32, #tpu.memory_space<vmem>>
        %dma_wait3A_470 = tpu.memref_squeeze %dma_wait3A_469 : memref<1x128x64xf32, #tpu.memory_space<vmem>> -> memref<128x64xf32, #tpu.memory_space<vmem>>
        tpu.wait_dma2 semaphore(%arg8 : memref<!tpu.dma_semaphore, #tpu.memory_space<semaphore_mem>>) src(%dma_wait3A_470 : memref<128x64xf32, #tpu.memory_space<vmem>>) dst(%dma_wait3A_466 : memref<128x64xf32, #tpu.memory_space<hbm>>)
      } else {
      }
      %add3A_208 = arith.constant 4 : i32
      %add3A_209 = arith.addi %add3A_202, %add3A_208 : i32
      %lt3A_210 = arith.constant 200 : i32
      %lt3A_211 = arith.cmpi slt, %add3A_209, %lt3A_210 : i32
      %convert_element_type3A_212 = arith.extui %lt3A_211 : i1 to i32
      %cond3A_213 = arith.constant 0 : i32
      %cond3A_214 = arith.cmpi ne, %convert_element_type3A_212, %cond3A_213 : i32
      scf.if %cond3A_214 {
        %add3A_453 = arith.constant 4 : i32
        %add3A_454 = arith.addi %add3A_202, %add3A_453 : i32
        %dma_start3A_455 = arith.constant 6 : i32
        %dma_start3A_456 = arith.constant 0 : i32
        %dma_start3A_457 = arith.constant 0 : i32
        %dma_start3A_458 = tpu.memref_slice %arg6[%dma_start3A_455, %dma_start3A_456, %dma_start3A_457] : memref<8x128x64xf32, #tpu.memory_space<vmem>> -> memref<1x128x64xf32, #tpu.memory_space<vmem>>
        %dma_start3A_459 = tpu.memref_squeeze %dma_start3A_458 : memref<1x128x64xf32, #tpu.memory_space<vmem>> -> memref<128x64xf32, #tpu.memory_space<vmem>>
        %dma_start3A_460 = arith.constant 0 : i32
        %dma_start3A_461 = tpu.memref_slice %arg5[%add3A_454, %dma_start3A_460] : memref<200x128xi32, #tpu.memory_space<vmem>> -> memref<1x128xi32, #tpu.memory_space<vmem>>
        %dma_start3A_462 = tpu.memref_squeeze %dma_start3A_461 : memref<1x128xi32, #tpu.memory_space<vmem>> -> memref<128xi32, #tpu.memory_space<vmem>>
        %dma_start3A_463 = arith.constant 0 : i32
        %dma_start3A_464 = arith.constant 0 : i32
        %dma_start3A_465 = tpu.memref_slice %arg3[%dma_start3A_463, %dma_start3A_464] : memref<1000000x64xf32, #tpu.memory_space<hbm>> -> memref<1000000x64xf32, #tpu.memory_space<hbm>>
        tpu.enqueue_indirect_dma source(%dma_start3A_465 : memref<1000000x64xf32, #tpu.memory_space<hbm>>) target(%dma_start3A_459 : memref<128x64xf32, #tpu.memory_space<vmem>>) offsets(%dma_start3A_462 : memref<128xi32, #tpu.memory_space<vmem>>) semaphore(%arg7 : memref<!tpu.dma_semaphore, #tpu.memory_space<semaphore_mem>>)
      } else {
      }
      %dma_wait3A_215 = arith.constant 2 : i32
      %dma_wait3A_216 = arith.constant 0 : i32
      %dma_wait3A_217 = arith.constant 0 : i32
      %dma_wait3A_218 = tpu.memref_slice %arg6[%dma_wait3A_215, %dma_wait3A_216, %dma_wait3A_217] : memref<8x128x64xf32, #tpu.memory_space<vmem>> -> memref<1x128x64xf32, #tpu.memory_space<vmem>>
      %dma_wait3A_219 = tpu.memref_squeeze %dma_wait3A_218 : memref<1x128x64xf32, #tpu.memory_space<vmem>> -> memref<128x64xf32, #tpu.memory_space<vmem>>
      %dma_wait3A_220 = arith.constant 0 : i32
      %dma_wait3A_221 = tpu.memref_slice %arg5[%add3A_202, %dma_wait3A_220] : memref<200x128xi32, #tpu.memory_space<vmem>> -> memref<1x128xi32, #tpu.memory_space<vmem>>
      %dma_wait3A_222 = tpu.memref_squeeze %dma_wait3A_221 : memref<1x128xi32, #tpu.memory_space<vmem>> -> memref<128xi32, #tpu.memory_space<vmem>>
      %dma_wait3A_223 = arith.constant 0 : i32
      %dma_wait3A_224 = arith.constant 0 : i32
      %dma_wait3A_225 = tpu.memref_slice %arg3[%dma_wait3A_223, %dma_wait3A_224] : memref<1000000x64xf32, #tpu.memory_space<hbm>> -> memref<1000000x64xf32, #tpu.memory_space<hbm>>
      tpu.wait_indirect_dma semaphore(%arg7 : memref<!tpu.dma_semaphore, #tpu.memory_space<semaphore_mem>>) src(%dma_wait3A_225 : memref<1000000x64xf32, #tpu.memory_space<hbm>>) dst(%dma_wait3A_219 : memref<128x64xf32, #tpu.memory_space<vmem>>)
      %mul3A_226 = arith.constant 128 : i32
      %mul3A_227 = arith.muli %add3A_202, %mul3A_226 : i32
      %add3A_228 = arith.addi %multiple_of3A, %mul3A_227 : i32
      %multiple_of3A_229 = tpu.assume_multiple %add3A_228, 128 : i32
      %dma_start3A_230 = arith.constant 2 : i32
      %dma_start3A_231 = arith.constant 0 : i32
      %dma_start3A_232 = arith.constant 0 : i32
      %dma_start3A_233 = tpu.memref_slice %arg6[%dma_start3A_230, %dma_start3A_231, %dma_start3A_232] : memref<8x128x64xf32, #tpu.memory_space<vmem>> -> memref<1x128x64xf32, #tpu.memory_space<vmem>>
      %dma_start3A_234 = tpu.memref_squeeze %dma_start3A_233 : memref<1x128x64xf32, #tpu.memory_space<vmem>> -> memref<128x64xf32, #tpu.memory_space<vmem>>
      %dma_start3A_235 = arith.constant 0 : i32
      %dma_start3A_236 = tpu.memref_slice %arg4[%multiple_of3A_229, %dma_start3A_235] : memref<819200x128xf32, #tpu.memory_space<hbm>> -> memref<128x64xf32, #tpu.memory_space<hbm>>
      %dma_start3A_237 = arith.constant 0 : i32
      %dma_start3A_238 = tpu.memref_slice %arg4[%multiple_of3A_229, %dma_start3A_237] : memref<819200x128xf32, #tpu.memory_space<hbm>> -> memref<128x64xf32, #tpu.memory_space<hbm>>
      %dma_start3A_239 = arith.constant 0 : i32
      %dma_start3A_240 = arith.constant 0 : i32
      %dma_start3A_241 = tpu.memref_slice %arg6[%dma_start3A_230, %dma_start3A_239, %dma_start3A_240] : memref<8x128x64xf32, #tpu.memory_space<vmem>> -> memref<1x128x64xf32, #tpu.memory_space<vmem>>
      %dma_start3A_242 = tpu.memref_squeeze %dma_start3A_241 : memref<1x128x64xf32, #tpu.memory_space<vmem>> -> memref<128x64xf32, #tpu.memory_space<vmem>>
      tpu.enqueue_dma source(%dma_start3A_242 : memref<128x64xf32, #tpu.memory_space<vmem>>) target(%dma_start3A_238 : memref<128x64xf32, #tpu.memory_space<hbm>>) target_semaphore(%arg8 : memref<!tpu.dma_semaphore, #tpu.memory_space<semaphore_mem>>)
      %add3A_243 = arith.constant 3 : i32
      %add3A_244 = arith.addi %mul3A_120, %add3A_243 : i32
      %ge3A_245 = arith.constant 4 : i32
      %ge3A_246 = arith.cmpi sge, %add3A_244, %ge3A_245 : i32
      %convert_element_type3A_247 = arith.extui %ge3A_246 : i1 to i32
      %cond3A_248 = arith.constant 0 : i32
      %cond3A_249 = arith.cmpi ne, %convert_element_type3A_247, %cond3A_248 : i32
      scf.if %cond3A_249 {
        %sub3A = arith.constant 4 : i32
        %sub3A_453 = arith.subi %add3A_244, %sub3A : i32
        %mul3A_454 = arith.constant 128 : i32
        %mul3A_455 = arith.muli %sub3A_453, %mul3A_454 : i32
        %add3A_456 = arith.addi %multiple_of3A, %mul3A_455 : i32
        %multiple_of3A_457 = tpu.assume_multiple %add3A_456, 128 : i32
        %dma_wait3A_458 = arith.constant 7 : i32
        %dma_wait3A_459 = arith.constant 0 : i32
        %dma_wait3A_460 = arith.constant 0 : i32
        %dma_wait3A_461 = tpu.memref_slice %arg6[%dma_wait3A_458, %dma_wait3A_459, %dma_wait3A_460] : memref<8x128x64xf32, #tpu.memory_space<vmem>> -> memref<1x128x64xf32, #tpu.memory_space<vmem>>
        %dma_wait3A_462 = tpu.memref_squeeze %dma_wait3A_461 : memref<1x128x64xf32, #tpu.memory_space<vmem>> -> memref<128x64xf32, #tpu.memory_space<vmem>>
        %dma_wait3A_463 = arith.constant 0 : i32
        %dma_wait3A_464 = tpu.memref_slice %arg4[%multiple_of3A_457, %dma_wait3A_463] : memref<819200x128xf32, #tpu.memory_space<hbm>> -> memref<128x64xf32, #tpu.memory_space<hbm>>
        %dma_wait3A_465 = arith.constant 0 : i32
        %dma_wait3A_466 = tpu.memref_slice %arg4[%multiple_of3A_457, %dma_wait3A_465] : memref<819200x128xf32, #tpu.memory_space<hbm>> -> memref<128x64xf32, #tpu.memory_space<hbm>>
        %dma_wait3A_467 = arith.constant 0 : i32
        %dma_wait3A_468 = arith.constant 0 : i32
        %dma_wait3A_469 = tpu.memref_slice %arg6[%dma_wait3A_458, %dma_wait3A_467, %dma_wait3A_468] : memref<8x128x64xf32, #tpu.memory_space<vmem>> -> memref<1x128x64xf32, #tpu.memory_space<vmem>>
        %dma_wait3A_470 = tpu.memref_squeeze %dma_wait3A_469 : memref<1x128x64xf32, #tpu.memory_space<vmem>> -> memref<128x64xf32, #tpu.memory_space<vmem>>
        tpu.wait_dma2 semaphore(%arg8 : memref<!tpu.dma_semaphore, #tpu.memory_space<semaphore_mem>>) src(%dma_wait3A_470 : memref<128x64xf32, #tpu.memory_space<vmem>>) dst(%dma_wait3A_466 : memref<128x64xf32, #tpu.memory_space<hbm>>)
      } else {
      }
      %add3A_250 = arith.constant 4 : i32
      %add3A_251 = arith.addi %add3A_244, %add3A_250 : i32
      %lt3A_252 = arith.constant 200 : i32
      %lt3A_253 = arith.cmpi slt, %add3A_251, %lt3A_252 : i32
      %convert_element_type3A_254 = arith.extui %lt3A_253 : i1 to i32
      %cond3A_255 = arith.constant 0 : i32
      %cond3A_256 = arith.cmpi ne, %convert_element_type3A_254, %cond3A_255 : i32
      scf.if %cond3A_256 {
        %add3A_453 = arith.constant 4 : i32
        %add3A_454 = arith.addi %add3A_244, %add3A_453 : i32
        %dma_start3A_455 = arith.constant 7 : i32
        %dma_start3A_456 = arith.constant 0 : i32
        %dma_start3A_457 = arith.constant 0 : i32
        %dma_start3A_458 = tpu.memref_slice %arg6[%dma_start3A_455, %dma_start3A_456, %dma_start3A_457] : memref<8x128x64xf32, #tpu.memory_space<vmem>> -> memref<1x128x64xf32, #tpu.memory_space<vmem>>
        %dma_start3A_459 = tpu.memref_squeeze %dma_start3A_458 : memref<1x128x64xf32, #tpu.memory_space<vmem>> -> memref<128x64xf32, #tpu.memory_space<vmem>>
        %dma_start3A_460 = arith.constant 0 : i32
        %dma_start3A_461 = tpu.memref_slice %arg5[%add3A_454, %dma_start3A_460] : memref<200x128xi32, #tpu.memory_space<vmem>> -> memref<1x128xi32, #tpu.memory_space<vmem>>
        %dma_start3A_462 = tpu.memref_squeeze %dma_start3A_461 : memref<1x128xi32, #tpu.memory_space<vmem>> -> memref<128xi32, #tpu.memory_space<vmem>>
        %dma_start3A_463 = arith.constant 0 : i32
        %dma_start3A_464 = arith.constant 0 : i32
        %dma_start3A_465 = tpu.memref_slice %arg3[%dma_start3A_463, %dma_start3A_464] : memref<1000000x64xf32, #tpu.memory_space<hbm>> -> memref<1000000x64xf32, #tpu.memory_space<hbm>>
        tpu.enqueue_indirect_dma source(%dma_start3A_465 : memref<1000000x64xf32, #tpu.memory_space<hbm>>) target(%dma_start3A_459 : memref<128x64xf32, #tpu.memory_space<vmem>>) offsets(%dma_start3A_462 : memref<128xi32, #tpu.memory_space<vmem>>) semaphore(%arg7 : memref<!tpu.dma_semaphore, #tpu.memory_space<semaphore_mem>>)
      } else {
      }
      %dma_wait3A_257 = arith.constant 3 : i32
      %dma_wait3A_258 = arith.constant 0 : i32
      %dma_wait3A_259 = arith.constant 0 : i32
      %dma_wait3A_260 = tpu.memref_slice %arg6[%dma_wait3A_257, %dma_wait3A_258, %dma_wait3A_259] : memref<8x128x64xf32, #tpu.memory_space<vmem>> -> memref<1x128x64xf32, #tpu.memory_space<vmem>>
      %dma_wait3A_261 = tpu.memref_squeeze %dma_wait3A_260 : memref<1x128x64xf32, #tpu.memory_space<vmem>> -> memref<128x64xf32, #tpu.memory_space<vmem>>
      %dma_wait3A_262 = arith.constant 0 : i32
      %dma_wait3A_263 = tpu.memref_slice %arg5[%add3A_244, %dma_wait3A_262] : memref<200x128xi32, #tpu.memory_space<vmem>> -> memref<1x128xi32, #tpu.memory_space<vmem>>
      %dma_wait3A_264 = tpu.memref_squeeze %dma_wait3A_263 : memref<1x128xi32, #tpu.memory_space<vmem>> -> memref<128xi32, #tpu.memory_space<vmem>>
      %dma_wait3A_265 = arith.constant 0 : i32
      %dma_wait3A_266 = arith.constant 0 : i32
      %dma_wait3A_267 = tpu.memref_slice %arg3[%dma_wait3A_265, %dma_wait3A_266] : memref<1000000x64xf32, #tpu.memory_space<hbm>> -> memref<1000000x64xf32, #tpu.memory_space<hbm>>
      tpu.wait_indirect_dma semaphore(%arg7 : memref<!tpu.dma_semaphore, #tpu.memory_space<semaphore_mem>>) src(%dma_wait3A_267 : memref<1000000x64xf32, #tpu.memory_space<hbm>>) dst(%dma_wait3A_261 : memref<128x64xf32, #tpu.memory_space<vmem>>)
      %mul3A_268 = arith.constant 128 : i32
      %mul3A_269 = arith.muli %add3A_244, %mul3A_268 : i32
      %add3A_270 = arith.addi %multiple_of3A, %mul3A_269 : i32
      %multiple_of3A_271 = tpu.assume_multiple %add3A_270, 128 : i32
      %dma_start3A_272 = arith.constant 3 : i32
      %dma_start3A_273 = arith.constant 0 : i32
      %dma_start3A_274 = arith.constant 0 : i32
      %dma_start3A_275 = tpu.memref_slice %arg6[%dma_start3A_272, %dma_start3A_273, %dma_start3A_274] : memref<8x128x64xf32, #tpu.memory_space<vmem>> -> memref<1x128x64xf32, #tpu.memory_space<vmem>>
      %dma_start3A_276 = tpu.memref_squeeze %dma_start3A_275 : memref<1x128x64xf32, #tpu.memory_space<vmem>> -> memref<128x64xf32, #tpu.memory_space<vmem>>
      %dma_start3A_277 = arith.constant 0 : i32
      %dma_start3A_278 = tpu.memref_slice %arg4[%multiple_of3A_271, %dma_start3A_277] : memref<819200x128xf32, #tpu.memory_space<hbm>> -> memref<128x64xf32, #tpu.memory_space<hbm>>
      %dma_start3A_279 = arith.constant 0 : i32
      %dma_start3A_280 = tpu.memref_slice %arg4[%multiple_of3A_271, %dma_start3A_279] : memref<819200x128xf32, #tpu.memory_space<hbm>> -> memref<128x64xf32, #tpu.memory_space<hbm>>
      %dma_start3A_281 = arith.constant 0 : i32
      %dma_start3A_282 = arith.constant 0 : i32
      %dma_start3A_283 = tpu.memref_slice %arg6[%dma_start3A_272, %dma_start3A_281, %dma_start3A_282] : memref<8x128x64xf32, #tpu.memory_space<vmem>> -> memref<1x128x64xf32, #tpu.memory_space<vmem>>
      %dma_start3A_284 = tpu.memref_squeeze %dma_start3A_283 : memref<1x128x64xf32, #tpu.memory_space<vmem>> -> memref<128x64xf32, #tpu.memory_space<vmem>>
      tpu.enqueue_dma source(%dma_start3A_284 : memref<128x64xf32, #tpu.memory_space<vmem>>) target(%dma_start3A_280 : memref<128x64xf32, #tpu.memory_space<hbm>>) target_semaphore(%arg8 : memref<!tpu.dma_semaphore, #tpu.memory_space<semaphore_mem>>)
      %add3A_285 = arith.constant 4 : i32
      %add3A_286 = arith.addi %mul3A_120, %add3A_285 : i32
      %ge3A_287 = arith.constant 4 : i32
      %ge3A_288 = arith.cmpi sge, %add3A_286, %ge3A_287 : i32
      %convert_element_type3A_289 = arith.extui %ge3A_288 : i1 to i32
      %cond3A_290 = arith.constant 0 : i32
      %cond3A_291 = arith.cmpi ne, %convert_element_type3A_289, %cond3A_290 : i32
      scf.if %cond3A_291 {
        %sub3A = arith.constant 4 : i32
        %sub3A_453 = arith.subi %add3A_286, %sub3A : i32
        %mul3A_454 = arith.constant 128 : i32
        %mul3A_455 = arith.muli %sub3A_453, %mul3A_454 : i32
        %add3A_456 = arith.addi %multiple_of3A, %mul3A_455 : i32
        %multiple_of3A_457 = tpu.assume_multiple %add3A_456, 128 : i32
        %dma_wait3A_458 = arith.constant 0 : i32
        %dma_wait3A_459 = arith.constant 0 : i32
        %dma_wait3A_460 = arith.constant 0 : i32
        %dma_wait3A_461 = tpu.memref_slice %arg6[%dma_wait3A_458, %dma_wait3A_459, %dma_wait3A_460] : memref<8x128x64xf32, #tpu.memory_space<vmem>> -> memref<1x128x64xf32, #tpu.memory_space<vmem>>
        %dma_wait3A_462 = tpu.memref_squeeze %dma_wait3A_461 : memref<1x128x64xf32, #tpu.memory_space<vmem>> -> memref<128x64xf32, #tpu.memory_space<vmem>>
        %dma_wait3A_463 = arith.constant 0 : i32
        %dma_wait3A_464 = tpu.memref_slice %arg4[%multiple_of3A_457, %dma_wait3A_463] : memref<819200x128xf32, #tpu.memory_space<hbm>> -> memref<128x64xf32, #tpu.memory_space<hbm>>
        %dma_wait3A_465 = arith.constant 0 : i32
        %dma_wait3A_466 = tpu.memref_slice %arg4[%multiple_of3A_457, %dma_wait3A_465] : memref<819200x128xf32, #tpu.memory_space<hbm>> -> memref<128x64xf32, #tpu.memory_space<hbm>>
        %dma_wait3A_467 = arith.constant 0 : i32
        %dma_wait3A_468 = arith.constant 0 : i32
        %dma_wait3A_469 = tpu.memref_slice %arg6[%dma_wait3A_458, %dma_wait3A_467, %dma_wait3A_468] : memref<8x128x64xf32, #tpu.memory_space<vmem>> -> memref<1x128x64xf32, #tpu.memory_space<vmem>>
        %dma_wait3A_470 = tpu.memref_squeeze %dma_wait3A_469 : memref<1x128x64xf32, #tpu.memory_space<vmem>> -> memref<128x64xf32, #tpu.memory_space<vmem>>
        tpu.wait_dma2 semaphore(%arg8 : memref<!tpu.dma_semaphore, #tpu.memory_space<semaphore_mem>>) src(%dma_wait3A_470 : memref<128x64xf32, #tpu.memory_space<vmem>>) dst(%dma_wait3A_466 : memref<128x64xf32, #tpu.memory_space<hbm>>)
      } else {
      }
      %add3A_292 = arith.constant 4 : i32
      %add3A_293 = arith.addi %add3A_286, %add3A_292 : i32
      %lt3A_294 = arith.constant 200 : i32
      %lt3A_295 = arith.cmpi slt, %add3A_293, %lt3A_294 : i32
      %convert_element_type3A_296 = arith.extui %lt3A_295 : i1 to i32
      %cond3A_297 = arith.constant 0 : i32
      %cond3A_298 = arith.cmpi ne, %convert_element_type3A_296, %cond3A_297 : i32
      scf.if %cond3A_298 {
        %add3A_453 = arith.constant 4 : i32
        %add3A_454 = arith.addi %add3A_286, %add3A_453 : i32
        %dma_start3A_455 = arith.constant 0 : i32
        %dma_start3A_456 = arith.constant 0 : i32
        %dma_start3A_457 = arith.constant 0 : i32
        %dma_start3A_458 = tpu.memref_slice %arg6[%dma_start3A_455, %dma_start3A_456, %dma_start3A_457] : memref<8x128x64xf32, #tpu.memory_space<vmem>> -> memref<1x128x64xf32, #tpu.memory_space<vmem>>
        %dma_start3A_459 = tpu.memref_squeeze %dma_start3A_458 : memref<1x128x64xf32, #tpu.memory_space<vmem>> -> memref<128x64xf32, #tpu.memory_space<vmem>>
        %dma_start3A_460 = arith.constant 0 : i32
        %dma_start3A_461 = tpu.memref_slice %arg5[%add3A_454, %dma_start3A_460] : memref<200x128xi32, #tpu.memory_space<vmem>> -> memref<1x128xi32, #tpu.memory_space<vmem>>
        %dma_start3A_462 = tpu.memref_squeeze %dma_start3A_461 : memref<1x128xi32, #tpu.memory_space<vmem>> -> memref<128xi32, #tpu.memory_space<vmem>>
        %dma_start3A_463 = arith.constant 0 : i32
        %dma_start3A_464 = arith.constant 0 : i32
        %dma_start3A_465 = tpu.memref_slice %arg3[%dma_start3A_463, %dma_start3A_464] : memref<1000000x64xf32, #tpu.memory_space<hbm>> -> memref<1000000x64xf32, #tpu.memory_space<hbm>>
        tpu.enqueue_indirect_dma source(%dma_start3A_465 : memref<1000000x64xf32, #tpu.memory_space<hbm>>) target(%dma_start3A_459 : memref<128x64xf32, #tpu.memory_space<vmem>>) offsets(%dma_start3A_462 : memref<128xi32, #tpu.memory_space<vmem>>) semaphore(%arg7 : memref<!tpu.dma_semaphore, #tpu.memory_space<semaphore_mem>>)
      } else {
      }
      %dma_wait3A_299 = arith.constant 4 : i32
      %dma_wait3A_300 = arith.constant 0 : i32
      %dma_wait3A_301 = arith.constant 0 : i32
      %dma_wait3A_302 = tpu.memref_slice %arg6[%dma_wait3A_299, %dma_wait3A_300, %dma_wait3A_301] : memref<8x128x64xf32, #tpu.memory_space<vmem>> -> memref<1x128x64xf32, #tpu.memory_space<vmem>>
      %dma_wait3A_303 = tpu.memref_squeeze %dma_wait3A_302 : memref<1x128x64xf32, #tpu.memory_space<vmem>> -> memref<128x64xf32, #tpu.memory_space<vmem>>
      %dma_wait3A_304 = arith.constant 0 : i32
      %dma_wait3A_305 = tpu.memref_slice %arg5[%add3A_286, %dma_wait3A_304] : memref<200x128xi32, #tpu.memory_space<vmem>> -> memref<1x128xi32, #tpu.memory_space<vmem>>
      %dma_wait3A_306 = tpu.memref_squeeze %dma_wait3A_305 : memref<1x128xi32, #tpu.memory_space<vmem>> -> memref<128xi32, #tpu.memory_space<vmem>>
      %dma_wait3A_307 = arith.constant 0 : i32
      %dma_wait3A_308 = arith.constant 0 : i32
      %dma_wait3A_309 = tpu.memref_slice %arg3[%dma_wait3A_307, %dma_wait3A_308] : memref<1000000x64xf32, #tpu.memory_space<hbm>> -> memref<1000000x64xf32, #tpu.memory_space<hbm>>
      tpu.wait_indirect_dma semaphore(%arg7 : memref<!tpu.dma_semaphore, #tpu.memory_space<semaphore_mem>>) src(%dma_wait3A_309 : memref<1000000x64xf32, #tpu.memory_space<hbm>>) dst(%dma_wait3A_303 : memref<128x64xf32, #tpu.memory_space<vmem>>)
      %mul3A_310 = arith.constant 128 : i32
      %mul3A_311 = arith.muli %add3A_286, %mul3A_310 : i32
      %add3A_312 = arith.addi %multiple_of3A, %mul3A_311 : i32
      %multiple_of3A_313 = tpu.assume_multiple %add3A_312, 128 : i32
      %dma_start3A_314 = arith.constant 4 : i32
      %dma_start3A_315 = arith.constant 0 : i32
      %dma_start3A_316 = arith.constant 0 : i32
      %dma_start3A_317 = tpu.memref_slice %arg6[%dma_start3A_314, %dma_start3A_315, %dma_start3A_316] : memref<8x128x64xf32, #tpu.memory_space<vmem>> -> memref<1x128x64xf32, #tpu.memory_space<vmem>>
      %dma_start3A_318 = tpu.memref_squeeze %dma_start3A_317 : memref<1x128x64xf32, #tpu.memory_space<vmem>> -> memref<128x64xf32, #tpu.memory_space<vmem>>
      %dma_start3A_319 = arith.constant 0 : i32
      %dma_start3A_320 = tpu.memref_slice %arg4[%multiple_of3A_313, %dma_start3A_319] : memref<819200x128xf32, #tpu.memory_space<hbm>> -> memref<128x64xf32, #tpu.memory_space<hbm>>
      %dma_start3A_321 = arith.constant 0 : i32
      %dma_start3A_322 = tpu.memref_slice %arg4[%multiple_of3A_313, %dma_start3A_321] : memref<819200x128xf32, #tpu.memory_space<hbm>> -> memref<128x64xf32, #tpu.memory_space<hbm>>
      %dma_start3A_323 = arith.constant 0 : i32
      %dma_start3A_324 = arith.constant 0 : i32
      %dma_start3A_325 = tpu.memref_slice %arg6[%dma_start3A_314, %dma_start3A_323, %dma_start3A_324] : memref<8x128x64xf32, #tpu.memory_space<vmem>> -> memref<1x128x64xf32, #tpu.memory_space<vmem>>
      %dma_start3A_326 = tpu.memref_squeeze %dma_start3A_325 : memref<1x128x64xf32, #tpu.memory_space<vmem>> -> memref<128x64xf32, #tpu.memory_space<vmem>>
      tpu.enqueue_dma source(%dma_start3A_326 : memref<128x64xf32, #tpu.memory_space<vmem>>) target(%dma_start3A_322 : memref<128x64xf32, #tpu.memory_space<hbm>>) target_semaphore(%arg8 : memref<!tpu.dma_semaphore, #tpu.memory_space<semaphore_mem>>)
      %add3A_327 = arith.constant 5 : i32
      %add3A_328 = arith.addi %mul3A_120, %add3A_327 : i32
      %ge3A_329 = arith.constant 4 : i32
      %ge3A_330 = arith.cmpi sge, %add3A_328, %ge3A_329 : i32
      %convert_element_type3A_331 = arith.extui %ge3A_330 : i1 to i32
      %cond3A_332 = arith.constant 0 : i32
      %cond3A_333 = arith.cmpi ne, %convert_element_type3A_331, %cond3A_332 : i32
      scf.if %cond3A_333 {
        %sub3A = arith.constant 4 : i32
        %sub3A_453 = arith.subi %add3A_328, %sub3A : i32
        %mul3A_454 = arith.constant 128 : i32
        %mul3A_455 = arith.muli %sub3A_453, %mul3A_454 : i32
        %add3A_456 = arith.addi %multiple_of3A, %mul3A_455 : i32
        %multiple_of3A_457 = tpu.assume_multiple %add3A_456, 128 : i32
        %dma_wait3A_458 = arith.constant 1 : i32
        %dma_wait3A_459 = arith.constant 0 : i32
        %dma_wait3A_460 = arith.constant 0 : i32
        %dma_wait3A_461 = tpu.memref_slice %arg6[%dma_wait3A_458, %dma_wait3A_459, %dma_wait3A_460] : memref<8x128x64xf32, #tpu.memory_space<vmem>> -> memref<1x128x64xf32, #tpu.memory_space<vmem>>
        %dma_wait3A_462 = tpu.memref_squeeze %dma_wait3A_461 : memref<1x128x64xf32, #tpu.memory_space<vmem>> -> memref<128x64xf32, #tpu.memory_space<vmem>>
        %dma_wait3A_463 = arith.constant 0 : i32
        %dma_wait3A_464 = tpu.memref_slice %arg4[%multiple_of3A_457, %dma_wait3A_463] : memref<819200x128xf32, #tpu.memory_space<hbm>> -> memref<128x64xf32, #tpu.memory_space<hbm>>
        %dma_wait3A_465 = arith.constant 0 : i32
        %dma_wait3A_466 = tpu.memref_slice %arg4[%multiple_of3A_457, %dma_wait3A_465] : memref<819200x128xf32, #tpu.memory_space<hbm>> -> memref<128x64xf32, #tpu.memory_space<hbm>>
        %dma_wait3A_467 = arith.constant 0 : i32
        %dma_wait3A_468 = arith.constant 0 : i32
        %dma_wait3A_469 = tpu.memref_slice %arg6[%dma_wait3A_458, %dma_wait3A_467, %dma_wait3A_468] : memref<8x128x64xf32, #tpu.memory_space<vmem>> -> memref<1x128x64xf32, #tpu.memory_space<vmem>>
        %dma_wait3A_470 = tpu.memref_squeeze %dma_wait3A_469 : memref<1x128x64xf32, #tpu.memory_space<vmem>> -> memref<128x64xf32, #tpu.memory_space<vmem>>
        tpu.wait_dma2 semaphore(%arg8 : memref<!tpu.dma_semaphore, #tpu.memory_space<semaphore_mem>>) src(%dma_wait3A_470 : memref<128x64xf32, #tpu.memory_space<vmem>>) dst(%dma_wait3A_466 : memref<128x64xf32, #tpu.memory_space<hbm>>)
      } else {
      }
      %add3A_334 = arith.constant 4 : i32
      %add3A_335 = arith.addi %add3A_328, %add3A_334 : i32
      %lt3A_336 = arith.constant 200 : i32
      %lt3A_337 = arith.cmpi slt, %add3A_335, %lt3A_336 : i32
      %convert_element_type3A_338 = arith.extui %lt3A_337 : i1 to i32
      %cond3A_339 = arith.constant 0 : i32
      %cond3A_340 = arith.cmpi ne, %convert_element_type3A_338, %cond3A_339 : i32
      scf.if %cond3A_340 {
        %add3A_453 = arith.constant 4 : i32
        %add3A_454 = arith.addi %add3A_328, %add3A_453 : i32
        %dma_start3A_455 = arith.constant 1 : i32
        %dma_start3A_456 = arith.constant 0 : i32
        %dma_start3A_457 = arith.constant 0 : i32
        %dma_start3A_458 = tpu.memref_slice %arg6[%dma_start3A_455, %dma_start3A_456, %dma_start3A_457] : memref<8x128x64xf32, #tpu.memory_space<vmem>> -> memref<1x128x64xf32, #tpu.memory_space<vmem>>
        %dma_start3A_459 = tpu.memref_squeeze %dma_start3A_458 : memref<1x128x64xf32, #tpu.memory_space<vmem>> -> memref<128x64xf32, #tpu.memory_space<vmem>>
        %dma_start3A_460 = arith.constant 0 : i32
        %dma_start3A_461 = tpu.memref_slice %arg5[%add3A_454, %dma_start3A_460] : memref<200x128xi32, #tpu.memory_space<vmem>> -> memref<1x128xi32, #tpu.memory_space<vmem>>
        %dma_start3A_462 = tpu.memref_squeeze %dma_start3A_461 : memref<1x128xi32, #tpu.memory_space<vmem>> -> memref<128xi32, #tpu.memory_space<vmem>>
        %dma_start3A_463 = arith.constant 0 : i32
        %dma_start3A_464 = arith.constant 0 : i32
        %dma_start3A_465 = tpu.memref_slice %arg3[%dma_start3A_463, %dma_start3A_464] : memref<1000000x64xf32, #tpu.memory_space<hbm>> -> memref<1000000x64xf32, #tpu.memory_space<hbm>>
        tpu.enqueue_indirect_dma source(%dma_start3A_465 : memref<1000000x64xf32, #tpu.memory_space<hbm>>) target(%dma_start3A_459 : memref<128x64xf32, #tpu.memory_space<vmem>>) offsets(%dma_start3A_462 : memref<128xi32, #tpu.memory_space<vmem>>) semaphore(%arg7 : memref<!tpu.dma_semaphore, #tpu.memory_space<semaphore_mem>>)
      } else {
      }
      %dma_wait3A_341 = arith.constant 5 : i32
      %dma_wait3A_342 = arith.constant 0 : i32
      %dma_wait3A_343 = arith.constant 0 : i32
      %dma_wait3A_344 = tpu.memref_slice %arg6[%dma_wait3A_341, %dma_wait3A_342, %dma_wait3A_343] : memref<8x128x64xf32, #tpu.memory_space<vmem>> -> memref<1x128x64xf32, #tpu.memory_space<vmem>>
      %dma_wait3A_345 = tpu.memref_squeeze %dma_wait3A_344 : memref<1x128x64xf32, #tpu.memory_space<vmem>> -> memref<128x64xf32, #tpu.memory_space<vmem>>
      %dma_wait3A_346 = arith.constant 0 : i32
      %dma_wait3A_347 = tpu.memref_slice %arg5[%add3A_328, %dma_wait3A_346] : memref<200x128xi32, #tpu.memory_space<vmem>> -> memref<1x128xi32, #tpu.memory_space<vmem>>
      %dma_wait3A_348 = tpu.memref_squeeze %dma_wait3A_347 : memref<1x128xi32, #tpu.memory_space<vmem>> -> memref<128xi32, #tpu.memory_space<vmem>>
      %dma_wait3A_349 = arith.constant 0 : i32
      %dma_wait3A_350 = arith.constant 0 : i32
      %dma_wait3A_351 = tpu.memref_slice %arg3[%dma_wait3A_349, %dma_wait3A_350] : memref<1000000x64xf32, #tpu.memory_space<hbm>> -> memref<1000000x64xf32, #tpu.memory_space<hbm>>
      tpu.wait_indirect_dma semaphore(%arg7 : memref<!tpu.dma_semaphore, #tpu.memory_space<semaphore_mem>>) src(%dma_wait3A_351 : memref<1000000x64xf32, #tpu.memory_space<hbm>>) dst(%dma_wait3A_345 : memref<128x64xf32, #tpu.memory_space<vmem>>)
      %mul3A_352 = arith.constant 128 : i32
      %mul3A_353 = arith.muli %add3A_328, %mul3A_352 : i32
      %add3A_354 = arith.addi %multiple_of3A, %mul3A_353 : i32
      %multiple_of3A_355 = tpu.assume_multiple %add3A_354, 128 : i32
      %dma_start3A_356 = arith.constant 5 : i32
      %dma_start3A_357 = arith.constant 0 : i32
      %dma_start3A_358 = arith.constant 0 : i32
      %dma_start3A_359 = tpu.memref_slice %arg6[%dma_start3A_356, %dma_start3A_357, %dma_start3A_358] : memref<8x128x64xf32, #tpu.memory_space<vmem>> -> memref<1x128x64xf32, #tpu.memory_space<vmem>>
      %dma_start3A_360 = tpu.memref_squeeze %dma_start3A_359 : memref<1x128x64xf32, #tpu.memory_space<vmem>> -> memref<128x64xf32, #tpu.memory_space<vmem>>
      %dma_start3A_361 = arith.constant 0 : i32
      %dma_start3A_362 = tpu.memref_slice %arg4[%multiple_of3A_355, %dma_start3A_361] : memref<819200x128xf32, #tpu.memory_space<hbm>> -> memref<128x64xf32, #tpu.memory_space<hbm>>
      %dma_start3A_363 = arith.constant 0 : i32
      %dma_start3A_364 = tpu.memref_slice %arg4[%multiple_of3A_355, %dma_start3A_363] : memref<819200x128xf32, #tpu.memory_space<hbm>> -> memref<128x64xf32, #tpu.memory_space<hbm>>
      %dma_start3A_365 = arith.constant 0 : i32
      %dma_start3A_366 = arith.constant 0 : i32
      %dma_start3A_367 = tpu.memref_slice %arg6[%dma_start3A_356, %dma_start3A_365, %dma_start3A_366] : memref<8x128x64xf32, #tpu.memory_space<vmem>> -> memref<1x128x64xf32, #tpu.memory_space<vmem>>
      %dma_start3A_368 = tpu.memref_squeeze %dma_start3A_367 : memref<1x128x64xf32, #tpu.memory_space<vmem>> -> memref<128x64xf32, #tpu.memory_space<vmem>>
      tpu.enqueue_dma source(%dma_start3A_368 : memref<128x64xf32, #tpu.memory_space<vmem>>) target(%dma_start3A_364 : memref<128x64xf32, #tpu.memory_space<hbm>>) target_semaphore(%arg8 : memref<!tpu.dma_semaphore, #tpu.memory_space<semaphore_mem>>)
      %add3A_369 = arith.constant 6 : i32
      %add3A_370 = arith.addi %mul3A_120, %add3A_369 : i32
      %ge3A_371 = arith.constant 4 : i32
      %ge3A_372 = arith.cmpi sge, %add3A_370, %ge3A_371 : i32
      %convert_element_type3A_373 = arith.extui %ge3A_372 : i1 to i32
      %cond3A_374 = arith.constant 0 : i32
      %cond3A_375 = arith.cmpi ne, %convert_element_type3A_373, %cond3A_374 : i32
      scf.if %cond3A_375 {
        %sub3A = arith.constant 4 : i32
        %sub3A_453 = arith.subi %add3A_370, %sub3A : i32
        %mul3A_454 = arith.constant 128 : i32
        %mul3A_455 = arith.muli %sub3A_453, %mul3A_454 : i32
        %add3A_456 = arith.addi %multiple_of3A, %mul3A_455 : i32
        %multiple_of3A_457 = tpu.assume_multiple %add3A_456, 128 : i32
        %dma_wait3A_458 = arith.constant 2 : i32
        %dma_wait3A_459 = arith.constant 0 : i32
        %dma_wait3A_460 = arith.constant 0 : i32
        %dma_wait3A_461 = tpu.memref_slice %arg6[%dma_wait3A_458, %dma_wait3A_459, %dma_wait3A_460] : memref<8x128x64xf32, #tpu.memory_space<vmem>> -> memref<1x128x64xf32, #tpu.memory_space<vmem>>
        %dma_wait3A_462 = tpu.memref_squeeze %dma_wait3A_461 : memref<1x128x64xf32, #tpu.memory_space<vmem>> -> memref<128x64xf32, #tpu.memory_space<vmem>>
        %dma_wait3A_463 = arith.constant 0 : i32
        %dma_wait3A_464 = tpu.memref_slice %arg4[%multiple_of3A_457, %dma_wait3A_463] : memref<819200x128xf32, #tpu.memory_space<hbm>> -> memref<128x64xf32, #tpu.memory_space<hbm>>
        %dma_wait3A_465 = arith.constant 0 : i32
        %dma_wait3A_466 = tpu.memref_slice %arg4[%multiple_of3A_457, %dma_wait3A_465] : memref<819200x128xf32, #tpu.memory_space<hbm>> -> memref<128x64xf32, #tpu.memory_space<hbm>>
        %dma_wait3A_467 = arith.constant 0 : i32
        %dma_wait3A_468 = arith.constant 0 : i32
        %dma_wait3A_469 = tpu.memref_slice %arg6[%dma_wait3A_458, %dma_wait3A_467, %dma_wait3A_468] : memref<8x128x64xf32, #tpu.memory_space<vmem>> -> memref<1x128x64xf32, #tpu.memory_space<vmem>>
        %dma_wait3A_470 = tpu.memref_squeeze %dma_wait3A_469 : memref<1x128x64xf32, #tpu.memory_space<vmem>> -> memref<128x64xf32, #tpu.memory_space<vmem>>
        tpu.wait_dma2 semaphore(%arg8 : memref<!tpu.dma_semaphore, #tpu.memory_space<semaphore_mem>>) src(%dma_wait3A_470 : memref<128x64xf32, #tpu.memory_space<vmem>>) dst(%dma_wait3A_466 : memref<128x64xf32, #tpu.memory_space<hbm>>)
      } else {
      }
      %add3A_376 = arith.constant 4 : i32
      %add3A_377 = arith.addi %add3A_370, %add3A_376 : i32
      %lt3A_378 = arith.constant 200 : i32
      %lt3A_379 = arith.cmpi slt, %add3A_377, %lt3A_378 : i32
      %convert_element_type3A_380 = arith.extui %lt3A_379 : i1 to i32
      %cond3A_381 = arith.constant 0 : i32
      %cond3A_382 = arith.cmpi ne, %convert_element_type3A_380, %cond3A_381 : i32
      scf.if %cond3A_382 {
        %add3A_453 = arith.constant 4 : i32
        %add3A_454 = arith.addi %add3A_370, %add3A_453 : i32
        %dma_start3A_455 = arith.constant 2 : i32
        %dma_start3A_456 = arith.constant 0 : i32
        %dma_start3A_457 = arith.constant 0 : i32
        %dma_start3A_458 = tpu.memref_slice %arg6[%dma_start3A_455, %dma_start3A_456, %dma_start3A_457] : memref<8x128x64xf32, #tpu.memory_space<vmem>> -> memref<1x128x64xf32, #tpu.memory_space<vmem>>
        %dma_start3A_459 = tpu.memref_squeeze %dma_start3A_458 : memref<1x128x64xf32, #tpu.memory_space<vmem>> -> memref<128x64xf32, #tpu.memory_space<vmem>>
        %dma_start3A_460 = arith.constant 0 : i32
        %dma_start3A_461 = tpu.memref_slice %arg5[%add3A_454, %dma_start3A_460] : memref<200x128xi32, #tpu.memory_space<vmem>> -> memref<1x128xi32, #tpu.memory_space<vmem>>
        %dma_start3A_462 = tpu.memref_squeeze %dma_start3A_461 : memref<1x128xi32, #tpu.memory_space<vmem>> -> memref<128xi32, #tpu.memory_space<vmem>>
        %dma_start3A_463 = arith.constant 0 : i32
        %dma_start3A_464 = arith.constant 0 : i32
        %dma_start3A_465 = tpu.memref_slice %arg3[%dma_start3A_463, %dma_start3A_464] : memref<1000000x64xf32, #tpu.memory_space<hbm>> -> memref<1000000x64xf32, #tpu.memory_space<hbm>>
        tpu.enqueue_indirect_dma source(%dma_start3A_465 : memref<1000000x64xf32, #tpu.memory_space<hbm>>) target(%dma_start3A_459 : memref<128x64xf32, #tpu.memory_space<vmem>>) offsets(%dma_start3A_462 : memref<128xi32, #tpu.memory_space<vmem>>) semaphore(%arg7 : memref<!tpu.dma_semaphore, #tpu.memory_space<semaphore_mem>>)
      } else {
      }
      %dma_wait3A_383 = arith.constant 6 : i32
      %dma_wait3A_384 = arith.constant 0 : i32
      %dma_wait3A_385 = arith.constant 0 : i32
      %dma_wait3A_386 = tpu.memref_slice %arg6[%dma_wait3A_383, %dma_wait3A_384, %dma_wait3A_385] : memref<8x128x64xf32, #tpu.memory_space<vmem>> -> memref<1x128x64xf32, #tpu.memory_space<vmem>>
      %dma_wait3A_387 = tpu.memref_squeeze %dma_wait3A_386 : memref<1x128x64xf32, #tpu.memory_space<vmem>> -> memref<128x64xf32, #tpu.memory_space<vmem>>
      %dma_wait3A_388 = arith.constant 0 : i32
      %dma_wait3A_389 = tpu.memref_slice %arg5[%add3A_370, %dma_wait3A_388] : memref<200x128xi32, #tpu.memory_space<vmem>> -> memref<1x128xi32, #tpu.memory_space<vmem>>
      %dma_wait3A_390 = tpu.memref_squeeze %dma_wait3A_389 : memref<1x128xi32, #tpu.memory_space<vmem>> -> memref<128xi32, #tpu.memory_space<vmem>>
      %dma_wait3A_391 = arith.constant 0 : i32
      %dma_wait3A_392 = arith.constant 0 : i32
      %dma_wait3A_393 = tpu.memref_slice %arg3[%dma_wait3A_391, %dma_wait3A_392] : memref<1000000x64xf32, #tpu.memory_space<hbm>> -> memref<1000000x64xf32, #tpu.memory_space<hbm>>
      tpu.wait_indirect_dma semaphore(%arg7 : memref<!tpu.dma_semaphore, #tpu.memory_space<semaphore_mem>>) src(%dma_wait3A_393 : memref<1000000x64xf32, #tpu.memory_space<hbm>>) dst(%dma_wait3A_387 : memref<128x64xf32, #tpu.memory_space<vmem>>)
      %mul3A_394 = arith.constant 128 : i32
      %mul3A_395 = arith.muli %add3A_370, %mul3A_394 : i32
      %add3A_396 = arith.addi %multiple_of3A, %mul3A_395 : i32
      %multiple_of3A_397 = tpu.assume_multiple %add3A_396, 128 : i32
      %dma_start3A_398 = arith.constant 6 : i32
      %dma_start3A_399 = arith.constant 0 : i32
      %dma_start3A_400 = arith.constant 0 : i32
      %dma_start3A_401 = tpu.memref_slice %arg6[%dma_start3A_398, %dma_start3A_399, %dma_start3A_400] : memref<8x128x64xf32, #tpu.memory_space<vmem>> -> memref<1x128x64xf32, #tpu.memory_space<vmem>>
      %dma_start3A_402 = tpu.memref_squeeze %dma_start3A_401 : memref<1x128x64xf32, #tpu.memory_space<vmem>> -> memref<128x64xf32, #tpu.memory_space<vmem>>
      %dma_start3A_403 = arith.constant 0 : i32
      %dma_start3A_404 = tpu.memref_slice %arg4[%multiple_of3A_397, %dma_start3A_403] : memref<819200x128xf32, #tpu.memory_space<hbm>> -> memref<128x64xf32, #tpu.memory_space<hbm>>
      %dma_start3A_405 = arith.constant 0 : i32
      %dma_start3A_406 = tpu.memref_slice %arg4[%multiple_of3A_397, %dma_start3A_405] : memref<819200x128xf32, #tpu.memory_space<hbm>> -> memref<128x64xf32, #tpu.memory_space<hbm>>
      %dma_start3A_407 = arith.constant 0 : i32
      %dma_start3A_408 = arith.constant 0 : i32
      %dma_start3A_409 = tpu.memref_slice %arg6[%dma_start3A_398, %dma_start3A_407, %dma_start3A_408] : memref<8x128x64xf32, #tpu.memory_space<vmem>> -> memref<1x128x64xf32, #tpu.memory_space<vmem>>
      %dma_start3A_410 = tpu.memref_squeeze %dma_start3A_409 : memref<1x128x64xf32, #tpu.memory_space<vmem>> -> memref<128x64xf32, #tpu.memory_space<vmem>>
      tpu.enqueue_dma source(%dma_start3A_410 : memref<128x64xf32, #tpu.memory_space<vmem>>) target(%dma_start3A_406 : memref<128x64xf32, #tpu.memory_space<hbm>>) target_semaphore(%arg8 : memref<!tpu.dma_semaphore, #tpu.memory_space<semaphore_mem>>)
      %add3A_411 = arith.constant 7 : i32
      %add3A_412 = arith.addi %mul3A_120, %add3A_411 : i32
      %ge3A_413 = arith.constant 4 : i32
      %ge3A_414 = arith.cmpi sge, %add3A_412, %ge3A_413 : i32
      %convert_element_type3A_415 = arith.extui %ge3A_414 : i1 to i32
      %cond3A_416 = arith.constant 0 : i32
      %cond3A_417 = arith.cmpi ne, %convert_element_type3A_415, %cond3A_416 : i32
      scf.if %cond3A_417 {
        %sub3A = arith.constant 4 : i32
        %sub3A_453 = arith.subi %add3A_412, %sub3A : i32
        %mul3A_454 = arith.constant 128 : i32
        %mul3A_455 = arith.muli %sub3A_453, %mul3A_454 : i32
        %add3A_456 = arith.addi %multiple_of3A, %mul3A_455 : i32
        %multiple_of3A_457 = tpu.assume_multiple %add3A_456, 128 : i32
        %dma_wait3A_458 = arith.constant 3 : i32
        %dma_wait3A_459 = arith.constant 0 : i32
        %dma_wait3A_460 = arith.constant 0 : i32
        %dma_wait3A_461 = tpu.memref_slice %arg6[%dma_wait3A_458, %dma_wait3A_459, %dma_wait3A_460] : memref<8x128x64xf32, #tpu.memory_space<vmem>> -> memref<1x128x64xf32, #tpu.memory_space<vmem>>
        %dma_wait3A_462 = tpu.memref_squeeze %dma_wait3A_461 : memref<1x128x64xf32, #tpu.memory_space<vmem>> -> memref<128x64xf32, #tpu.memory_space<vmem>>
        %dma_wait3A_463 = arith.constant 0 : i32
        %dma_wait3A_464 = tpu.memref_slice %arg4[%multiple_of3A_457, %dma_wait3A_463] : memref<819200x128xf32, #tpu.memory_space<hbm>> -> memref<128x64xf32, #tpu.memory_space<hbm>>
        %dma_wait3A_465 = arith.constant 0 : i32
        %dma_wait3A_466 = tpu.memref_slice %arg4[%multiple_of3A_457, %dma_wait3A_465] : memref<819200x128xf32, #tpu.memory_space<hbm>> -> memref<128x64xf32, #tpu.memory_space<hbm>>
        %dma_wait3A_467 = arith.constant 0 : i32
        %dma_wait3A_468 = arith.constant 0 : i32
        %dma_wait3A_469 = tpu.memref_slice %arg6[%dma_wait3A_458, %dma_wait3A_467, %dma_wait3A_468] : memref<8x128x64xf32, #tpu.memory_space<vmem>> -> memref<1x128x64xf32, #tpu.memory_space<vmem>>
        %dma_wait3A_470 = tpu.memref_squeeze %dma_wait3A_469 : memref<1x128x64xf32, #tpu.memory_space<vmem>> -> memref<128x64xf32, #tpu.memory_space<vmem>>
        tpu.wait_dma2 semaphore(%arg8 : memref<!tpu.dma_semaphore, #tpu.memory_space<semaphore_mem>>) src(%dma_wait3A_470 : memref<128x64xf32, #tpu.memory_space<vmem>>) dst(%dma_wait3A_466 : memref<128x64xf32, #tpu.memory_space<hbm>>)
      } else {
      }
      %add3A_418 = arith.constant 4 : i32
      %add3A_419 = arith.addi %add3A_412, %add3A_418 : i32
      %lt3A_420 = arith.constant 200 : i32
      %lt3A_421 = arith.cmpi slt, %add3A_419, %lt3A_420 : i32
      %convert_element_type3A_422 = arith.extui %lt3A_421 : i1 to i32
      %cond3A_423 = arith.constant 0 : i32
      %cond3A_424 = arith.cmpi ne, %convert_element_type3A_422, %cond3A_423 : i32
      scf.if %cond3A_424 {
        %add3A_453 = arith.constant 4 : i32
        %add3A_454 = arith.addi %add3A_412, %add3A_453 : i32
        %dma_start3A_455 = arith.constant 3 : i32
        %dma_start3A_456 = arith.constant 0 : i32
        %dma_start3A_457 = arith.constant 0 : i32
        %dma_start3A_458 = tpu.memref_slice %arg6[%dma_start3A_455, %dma_start3A_456, %dma_start3A_457] : memref<8x128x64xf32, #tpu.memory_space<vmem>> -> memref<1x128x64xf32, #tpu.memory_space<vmem>>
        %dma_start3A_459 = tpu.memref_squeeze %dma_start3A_458 : memref<1x128x64xf32, #tpu.memory_space<vmem>> -> memref<128x64xf32, #tpu.memory_space<vmem>>
        %dma_start3A_460 = arith.constant 0 : i32
        %dma_start3A_461 = tpu.memref_slice %arg5[%add3A_454, %dma_start3A_460] : memref<200x128xi32, #tpu.memory_space<vmem>> -> memref<1x128xi32, #tpu.memory_space<vmem>>
        %dma_start3A_462 = tpu.memref_squeeze %dma_start3A_461 : memref<1x128xi32, #tpu.memory_space<vmem>> -> memref<128xi32, #tpu.memory_space<vmem>>
        %dma_start3A_463 = arith.constant 0 : i32
        %dma_start3A_464 = arith.constant 0 : i32
        %dma_start3A_465 = tpu.memref_slice %arg3[%dma_start3A_463, %dma_start3A_464] : memref<1000000x64xf32, #tpu.memory_space<hbm>> -> memref<1000000x64xf32, #tpu.memory_space<hbm>>
        tpu.enqueue_indirect_dma source(%dma_start3A_465 : memref<1000000x64xf32, #tpu.memory_space<hbm>>) target(%dma_start3A_459 : memref<128x64xf32, #tpu.memory_space<vmem>>) offsets(%dma_start3A_462 : memref<128xi32, #tpu.memory_space<vmem>>) semaphore(%arg7 : memref<!tpu.dma_semaphore, #tpu.memory_space<semaphore_mem>>)
      } else {
      }
      %dma_wait3A_425 = arith.constant 7 : i32
      %dma_wait3A_426 = arith.constant 0 : i32
      %dma_wait3A_427 = arith.constant 0 : i32
      %dma_wait3A_428 = tpu.memref_slice %arg6[%dma_wait3A_425, %dma_wait3A_426, %dma_wait3A_427] : memref<8x128x64xf32, #tpu.memory_space<vmem>> -> memref<1x128x64xf32, #tpu.memory_space<vmem>>
      %dma_wait3A_429 = tpu.memref_squeeze %dma_wait3A_428 : memref<1x128x64xf32, #tpu.memory_space<vmem>> -> memref<128x64xf32, #tpu.memory_space<vmem>>
      %dma_wait3A_430 = arith.constant 0 : i32
      %dma_wait3A_431 = tpu.memref_slice %arg5[%add3A_412, %dma_wait3A_430] : memref<200x128xi32, #tpu.memory_space<vmem>> -> memref<1x128xi32, #tpu.memory_space<vmem>>
      %dma_wait3A_432 = tpu.memref_squeeze %dma_wait3A_431 : memref<1x128xi32, #tpu.memory_space<vmem>> -> memref<128xi32, #tpu.memory_space<vmem>>
      %dma_wait3A_433 = arith.constant 0 : i32
      %dma_wait3A_434 = arith.constant 0 : i32
      %dma_wait3A_435 = tpu.memref_slice %arg3[%dma_wait3A_433, %dma_wait3A_434] : memref<1000000x64xf32, #tpu.memory_space<hbm>> -> memref<1000000x64xf32, #tpu.memory_space<hbm>>
      tpu.wait_indirect_dma semaphore(%arg7 : memref<!tpu.dma_semaphore, #tpu.memory_space<semaphore_mem>>) src(%dma_wait3A_435 : memref<1000000x64xf32, #tpu.memory_space<hbm>>) dst(%dma_wait3A_429 : memref<128x64xf32, #tpu.memory_space<vmem>>)
      %mul3A_436 = arith.constant 128 : i32
      %mul3A_437 = arith.muli %add3A_412, %mul3A_436 : i32
      %add3A_438 = arith.addi %multiple_of3A, %mul3A_437 : i32
      %multiple_of3A_439 = tpu.assume_multiple %add3A_438, 128 : i32
      %dma_start3A_440 = arith.constant 7 : i32
      %dma_start3A_441 = arith.constant 0 : i32
      %dma_start3A_442 = arith.constant 0 : i32
      %dma_start3A_443 = tpu.memref_slice %arg6[%dma_start3A_440, %dma_start3A_441, %dma_start3A_442] : memref<8x128x64xf32, #tpu.memory_space<vmem>> -> memref<1x128x64xf32, #tpu.memory_space<vmem>>
      %dma_start3A_444 = tpu.memref_squeeze %dma_start3A_443 : memref<1x128x64xf32, #tpu.memory_space<vmem>> -> memref<128x64xf32, #tpu.memory_space<vmem>>
      %dma_start3A_445 = arith.constant 0 : i32
      %dma_start3A_446 = tpu.memref_slice %arg4[%multiple_of3A_439, %dma_start3A_445] : memref<819200x128xf32, #tpu.memory_space<hbm>> -> memref<128x64xf32, #tpu.memory_space<hbm>>
      %dma_start3A_447 = arith.constant 0 : i32
      %dma_start3A_448 = tpu.memref_slice %arg4[%multiple_of3A_439, %dma_start3A_447] : memref<819200x128xf32, #tpu.memory_space<hbm>> -> memref<128x64xf32, #tpu.memory_space<hbm>>
      %dma_start3A_449 = arith.constant 0 : i32
      %dma_start3A_450 = arith.constant 0 : i32
      %dma_start3A_451 = tpu.memref_slice %arg6[%dma_start3A_440, %dma_start3A_449, %dma_start3A_450] : memref<8x128x64xf32, #tpu.memory_space<vmem>> -> memref<1x128x64xf32, #tpu.memory_space<vmem>>
      %dma_start3A_452 = tpu.memref_squeeze %dma_start3A_451 : memref<1x128x64xf32, #tpu.memory_space<vmem>> -> memref<128x64xf32, #tpu.memory_space<vmem>>
      tpu.enqueue_dma source(%dma_start3A_452 : memref<128x64xf32, #tpu.memory_space<vmem>>) target(%dma_start3A_448 : memref<128x64xf32, #tpu.memory_space<hbm>>) target_semaphore(%arg8 : memref<!tpu.dma_semaphore, #tpu.memory_space<semaphore_mem>>)
    }
    %scan3A_54 = arith.constant 25 : i32
    %add3A_55 = arith.constant 25088 : i32
    %add3A_56 = arith.addi %multiple_of3A, %add3A_55 : i32
    %multiple_of3A_57 = tpu.assume_multiple %add3A_56, 128 : i32
    %dma_wait3A = arith.constant 4 : i32
    %dma_wait3A_58 = arith.constant 0 : i32
    %dma_wait3A_59 = arith.constant 0 : i32
    %dma_wait3A_60 = tpu.memref_slice %arg6[%dma_wait3A, %dma_wait3A_58, %dma_wait3A_59] : memref<8x128x64xf32, #tpu.memory_space<vmem>> -> memref<1x128x64xf32, #tpu.memory_space<vmem>>
    %dma_wait3A_61 = tpu.memref_squeeze %dma_wait3A_60 : memref<1x128x64xf32, #tpu.memory_space<vmem>> -> memref<128x64xf32, #tpu.memory_space<vmem>>
    %dma_wait3A_62 = arith.constant 0 : i32
    %dma_wait3A_63 = tpu.memref_slice %arg4[%multiple_of3A_57, %dma_wait3A_62] : memref<819200x128xf32, #tpu.memory_space<hbm>> -> memref<128x64xf32, #tpu.memory_space<hbm>>
    %dma_wait3A_64 = arith.constant 0 : i32
    %dma_wait3A_65 = tpu.memref_slice %arg4[%multiple_of3A_57, %dma_wait3A_64] : memref<819200x128xf32, #tpu.memory_space<hbm>> -> memref<128x64xf32, #tpu.memory_space<hbm>>
    %dma_wait3A_66 = arith.constant 0 : i32
    %dma_wait3A_67 = arith.constant 0 : i32
    %dma_wait3A_68 = tpu.memref_slice %arg6[%dma_wait3A, %dma_wait3A_66, %dma_wait3A_67] : memref<8x128x64xf32, #tpu.memory_space<vmem>> -> memref<1x128x64xf32, #tpu.memory_space<vmem>>
    %dma_wait3A_69 = tpu.memref_squeeze %dma_wait3A_68 : memref<1x128x64xf32, #tpu.memory_space<vmem>> -> memref<128x64xf32, #tpu.memory_space<vmem>>
    tpu.wait_dma2 semaphore(%arg8 : memref<!tpu.dma_semaphore, #tpu.memory_space<semaphore_mem>>) src(%dma_wait3A_69 : memref<128x64xf32, #tpu.memory_space<vmem>>) dst(%dma_wait3A_65 : memref<128x64xf32, #tpu.memory_space<hbm>>)
    %add3A_70 = arith.constant 25216 : i32
    %add3A_71 = arith.addi %multiple_of3A, %add3A_70 : i32
    %multiple_of3A_72 = tpu.assume_multiple %add3A_71, 128 : i32
    %dma_wait3A_73 = arith.constant 5 : i32
    %dma_wait3A_74 = arith.constant 0 : i32
    %dma_wait3A_75 = arith.constant 0 : i32
    %dma_wait3A_76 = tpu.memref_slice %arg6[%dma_wait3A_73, %dma_wait3A_74, %dma_wait3A_75] : memref<8x128x64xf32, #tpu.memory_space<vmem>> -> memref<1x128x64xf32, #tpu.memory_space<vmem>>
    %dma_wait3A_77 = tpu.memref_squeeze %dma_wait3A_76 : memref<1x128x64xf32, #tpu.memory_space<vmem>> -> memref<128x64xf32, #tpu.memory_space<vmem>>
    %dma_wait3A_78 = arith.constant 0 : i32
    %dma_wait3A_79 = tpu.memref_slice %arg4[%multiple_of3A_72, %dma_wait3A_78] : memref<819200x128xf32, #tpu.memory_space<hbm>> -> memref<128x64xf32, #tpu.memory_space<hbm>>
    %dma_wait3A_80 = arith.constant 0 : i32
    %dma_wait3A_81 = tpu.memref_slice %arg4[%multiple_of3A_72, %dma_wait3A_80] : memref<819200x128xf32, #tpu.memory_space<hbm>> -> memref<128x64xf32, #tpu.memory_space<hbm>>
    %dma_wait3A_82 = arith.constant 0 : i32
    %dma_wait3A_83 = arith.constant 0 : i32
    %dma_wait3A_84 = tpu.memref_slice %arg6[%dma_wait3A_73, %dma_wait3A_82, %dma_wait3A_83] : memref<8x128x64xf32, #tpu.memory_space<vmem>> -> memref<1x128x64xf32, #tpu.memory_space<vmem>>
    %dma_wait3A_85 = tpu.memref_squeeze %dma_wait3A_84 : memref<1x128x64xf32, #tpu.memory_space<vmem>> -> memref<128x64xf32, #tpu.memory_space<vmem>>
    tpu.wait_dma2 semaphore(%arg8 : memref<!tpu.dma_semaphore, #tpu.memory_space<semaphore_mem>>) src(%dma_wait3A_85 : memref<128x64xf32, #tpu.memory_space<vmem>>) dst(%dma_wait3A_81 : memref<128x64xf32, #tpu.memory_space<hbm>>)
    %add3A_86 = arith.constant 25344 : i32
    %add3A_87 = arith.addi %multiple_of3A, %add3A_86 : i32
    %multiple_of3A_88 = tpu.assume_multiple %add3A_87, 128 : i32
    %dma_wait3A_89 = arith.constant 6 : i32
    %dma_wait3A_90 = arith.constant 0 : i32
    %dma_wait3A_91 = arith.constant 0 : i32
    %dma_wait3A_92 = tpu.memref_slice %arg6[%dma_wait3A_89, %dma_wait3A_90, %dma_wait3A_91] : memref<8x128x64xf32, #tpu.memory_space<vmem>> -> memref<1x128x64xf32, #tpu.memory_space<vmem>>
    %dma_wait3A_93 = tpu.memref_squeeze %dma_wait3A_92 : memref<1x128x64xf32, #tpu.memory_space<vmem>> -> memref<128x64xf32, #tpu.memory_space<vmem>>
    %dma_wait3A_94 = arith.constant 0 : i32
    %dma_wait3A_95 = tpu.memref_slice %arg4[%multiple_of3A_88, %dma_wait3A_94] : memref<819200x128xf32, #tpu.memory_space<hbm>> -> memref<128x64xf32, #tpu.memory_space<hbm>>
    %dma_wait3A_96 = arith.constant 0 : i32
    %dma_wait3A_97 = tpu.memref_slice %arg4[%multiple_of3A_88, %dma_wait3A_96] : memref<819200x128xf32, #tpu.memory_space<hbm>> -> memref<128x64xf32, #tpu.memory_space<hbm>>
    %dma_wait3A_98 = arith.constant 0 : i32
    %dma_wait3A_99 = arith.constant 0 : i32
    %dma_wait3A_100 = tpu.memref_slice %arg6[%dma_wait3A_89, %dma_wait3A_98, %dma_wait3A_99] : memref<8x128x64xf32, #tpu.memory_space<vmem>> -> memref<1x128x64xf32, #tpu.memory_space<vmem>>
    %dma_wait3A_101 = tpu.memref_squeeze %dma_wait3A_100 : memref<1x128x64xf32, #tpu.memory_space<vmem>> -> memref<128x64xf32, #tpu.memory_space<vmem>>
    tpu.wait_dma2 semaphore(%arg8 : memref<!tpu.dma_semaphore, #tpu.memory_space<semaphore_mem>>) src(%dma_wait3A_101 : memref<128x64xf32, #tpu.memory_space<vmem>>) dst(%dma_wait3A_97 : memref<128x64xf32, #tpu.memory_space<hbm>>)
    %add3A_102 = arith.constant 25472 : i32
    %add3A_103 = arith.addi %multiple_of3A, %add3A_102 : i32
    %multiple_of3A_104 = tpu.assume_multiple %add3A_103, 128 : i32
    %dma_wait3A_105 = arith.constant 7 : i32
    %dma_wait3A_106 = arith.constant 0 : i32
    %dma_wait3A_107 = arith.constant 0 : i32
    %dma_wait3A_108 = tpu.memref_slice %arg6[%dma_wait3A_105, %dma_wait3A_106, %dma_wait3A_107] : memref<8x128x64xf32, #tpu.memory_space<vmem>> -> memref<1x128x64xf32, #tpu.memory_space<vmem>>
    %dma_wait3A_109 = tpu.memref_squeeze %dma_wait3A_108 : memref<1x128x64xf32, #tpu.memory_space<vmem>> -> memref<128x64xf32, #tpu.memory_space<vmem>>
    %dma_wait3A_110 = arith.constant 0 : i32
    %dma_wait3A_111 = tpu.memref_slice %arg4[%multiple_of3A_104, %dma_wait3A_110] : memref<819200x128xf32, #tpu.memory_space<hbm>> -> memref<128x64xf32, #tpu.memory_space<hbm>>
    %dma_wait3A_112 = arith.constant 0 : i32
    %dma_wait3A_113 = tpu.memref_slice %arg4[%multiple_of3A_104, %dma_wait3A_112] : memref<819200x128xf32, #tpu.memory_space<hbm>> -> memref<128x64xf32, #tpu.memory_space<hbm>>
    %dma_wait3A_114 = arith.constant 0 : i32
    %dma_wait3A_115 = arith.constant 0 : i32
    %dma_wait3A_116 = tpu.memref_slice %arg6[%dma_wait3A_105, %dma_wait3A_114, %dma_wait3A_115] : memref<8x128x64xf32, #tpu.memory_space<vmem>> -> memref<1x128x64xf32, #tpu.memory_space<vmem>>
    %dma_wait3A_117 = tpu.memref_squeeze %dma_wait3A_116 : memref<1x128x64xf32, #tpu.memory_space<vmem>> -> memref<128x64xf32, #tpu.memory_space<vmem>>
    tpu.wait_dma2 semaphore(%arg8 : memref<!tpu.dma_semaphore, #tpu.memory_space<semaphore_mem>>) src(%dma_wait3A_117 : memref<128x64xf32, #tpu.memory_space<vmem>>) dst(%dma_wait3A_113 : memref<128x64xf32, #tpu.memory_space<hbm>>)
    return
  }
}

</mosaic_0001>

<sc_bundles>
// kernel: kernel.3.cloned.1.call-start
scs
__scs_entry_jumppad:
0x0: {  	(pc) =	sbr.rel $0x88, $3  }
0x1: {  	(tag) =	ssettag $0x0;
	lr =	simm.s32 $0x1  }
0x2: {  	[smem:$0x3F9F] =	sst lr;
	_ =	strace $0xD0000000  }
0x3: {  	_ = 	snop  }
0x4: {  	_ = 	snop  }
0x5: {  	_ = 	snop  }
0x6: {  	_ = 	snop  }
0x7: {  	_ = 	snop  }
__scs_overlays_trampoline_lowered:
0x8: {  	[smem:$0x3FAE] =	sst s0  }
0x9: {  	[smem:$0x3FAF] =	sst s1  }
0xa: {  	[smem:$0x3FB0] =	sst s2  }
0xb: {  	[smem:$0x3FB1] =	sst s3  }
0xc: {  	[smem:$0x3FB2] =	sst s4  }
0xd: {  	[smem:$0x3FB3] =	sst s5  }
0xe: {  	[smem:$0x3FB4] =	sst s6  }
0xf: {  	[smem:$0x3FB5] =	sst s7  }
0x10: {  	[smem:$0x3FB6] =	sst s8  }
0x11: {  	[smem:$0x3FB7] =	sst s9;
	s0 =	simm.s32 @!p0 $0x0  }
0x12: {  	s1 =	sld [smem:$0x3F9D];
	s0 =	simm.s32 @p0 $0x1  }
0x13: {  	[smem:$0x3FB8] =	sst s0;
	s0 =	simm.s32 @!p1 $0x0  }
0x14: {  	s2 =	sld [smem:$0x3F9C];
	s0 =	simm.s32 @p1 $0x1  }
0x15: {  	[smem:$0x3FB9] =	sst s0;
	s0 =	simm.s32 @!p2 $0x0  }
0x16: {  	s3 =	sld [smem:$0x3FDB];
	s0 =	simm.s32 @p2 $0x1  }
0x17: {  	s4 =	simm.s32 $0x1BF5;
	[smem:$0x3FBB] =	sst s0  }
0x18: {  	s0 =	sld [smem:$0x3F9E];
	_ =	swait.ge [sflag:s4], $0x0  }
0x19: {  	s7 =	sld [smem:$0x3F9F]  }
0x1a: {  	s8 =	sadd.s32 $0xFFFFE003, lr  }
0x1b: {  	s9 =	sadd.s32 $0xFFFFFEF7, lr;
	s5 =	simm.s32 $0xFFFFFFFF;
	p2 =	slt.u32 s8, $0xFFFFF086  }
0x1c: {  	p1 =	slt.u32 s9, $0xF7A;
	s5 =	simm.s32 @!p2 $0x0  }
0x1d: {  	s5 =	simm.s32 @p1 $0x1;
	p0 =	seq.s32 s7, s2  }
0x1e: {  	s7 =	smul.u32 @!p0 $0xF7A, s2;
	p2 =	seq.s32 @!p0 s5, $0x0  }
0x1f: {  	s9 =	smul.u32 $0xF7A, s1;
	s8 =	simm.s32 @!p0 $0x1BF5;
	p2 =	por !p2, p0  }
0x20: {  	[sflag:s8] =	ssyncset.s32 @!p0 $0xFFFFF086;
	s6 =	sadd.s32 @!p0 s3, s7;
	s7 =	simm.s32 @!p0 $0x108  }
0x21: {  	s3 =	sadd.s32 s3, s9;
	s6 =	sadd.s32 @!p0 $0x88, s6;
	s7 =	simm.s32 @p2 $0x1082  }
0x22: {  	[simem:s7], [sflag:s8] =	dma.local @!p0 [hbm:s6], $0xF7A  }
0x23: {  	s9 =	sor.u32 $0xD0000000, s2;
	s6 =	simm.s32 $0x108;
	_ =	swait.ge @!p0 [sflag:s8], $0x0  }
0x24: {  	s3 =	sadd.s32 $0x88, s3;
	s6 =	simm.s32 @!p1 $0x1082;
	[sflag:s4] =	ssyncset.s32 $0xFFFFF086  }
0x25: {  	[simem:s6], [sflag:s4] =	dma.local [hbm:s3], $0xF7A  }
0x26: {  	[smem:$0x3F9F] =	sst s1;
	(tag) =	ssettag s2;
	_ =	strace s9  }
0x27: {  	s1 =	sld [smem:$0x3FAF]  }
0x28: {  	s2 =	sld [smem:$0x3FB0]  }
0x29: {  	s4 =	sld [smem:$0x3FB2]  }
0x2a: {  	p0 =	seq.s32 s5, $0x0;
	s5 =	sld [smem:$0x3FB3]  }
0x2b: {  	s6 =	sld [smem:$0x3FB4]  }
0x2c: {  	s7 =	sld [smem:$0x3FB5]  }
0x2d: {  	s3 =	simm.s32 $0x108;
	s8 =	sld [smem:$0x3FB6]  }
0x2e: {  	s3 =	simm.s32 @!p0 $0x1082;
	s9 =	sld [smem:$0x3FB7]  }
0x2f: {  	lr =	sadd.s32 s0, s3;
	s0 =	sld [smem:$0x3FAE]  }
0x30: {  	s3 =	sld [smem:$0x3FB1]  }
0x31: {  	[smem:$0x3FBA] =	sst s10  }
0x32: {  	s10 =	sld [smem:$0x3FB8];
	_ =	sdelay $0x3  }
0x33: {  	p0 =	seq.s32 s10, $0x1;
	s10 =	sld [smem:$0x3FBA];
	_ =	sdelay $0x3  }
0x34: {  	[smem:$0x3FBA] =	sst s10  }
0x35: {  	s10 =	sld [smem:$0x3FB9];
	_ =	sdelay $0x3  }
0x36: {  	p1 =	seq.s32 s10, $0x1;
	s10 =	sld [smem:$0x3FBA];
	_ =	sdelay $0x3  }
0x37: {  	[smem:$0x3FBA] =	sst s10  }
0x38: {  	s10 =	sld [smem:$0x3FBB]  }
0x39: {  	_ = 	snop;
	(pc) =	sbr.ind lr, $3  }
0x3a: {  	_ = 	snop  }
0x3b: {  	_ = 	snop  }
0x3c: {  	p2 =	seq.s32 s10, $0x1;
	s10 =	sld [smem:$0x3FBA]  }
0x3d: {  	_ =	shalt  }
0x3e: {  	_ =	shalt  }
0x3f: {  	_ =	shalt  }
0x40: {  	_ =	shalt  }
0x41: {  	_ =	shalt  }
0x42: {  	_ =	shalt  }
0x43: {  	_ =	shalt  }
0x44: {  	_ =	shalt  }
0x45: {  	_ =	shalt  }
0x46: {  	_ =	shalt  }
0x47: {  	_ =	shalt  }
0x48: {  	_ =	shalt  }
0x49: {  	_ =	shalt  }
0x4a: {  	_ =	shalt  }
0x4b: {  	_ =	shalt  }
0x4c: {  	_ =	shalt  }
0x4d: {  	_ =	shalt  }
0x4e: {  	_ =	shalt  }
0x4f: {  	_ =	shalt  }
0x50: {  	_ =	shalt  }
0x51: {  	_ =	shalt  }
0x52: {  	_ =	shalt  }
0x53: {  	_ =	shalt  }
0x54: {  	_ =	shalt  }
0x55: {  	_ =	shalt  }
0x56: {  	_ =	shalt  }
0x57: {  	_ =	shalt  }
0x58: {  	_ =	shalt  }
0x59: {  	_ =	shalt  }
0x5a: {  	_ =	shalt  }
0x5b: {  	_ =	shalt  }
0x5c: {  	_ =	shalt  }
0x5d: {  	_ =	shalt  }
0x5e: {  	_ =	shalt  }
0x5f: {  	_ =	shalt  }
0x60: {  	_ =	shalt  }
0x61: {  	_ =	shalt  }
0x62: {  	_ =	shalt  }
0x63: {  	_ =	shalt  }
0x64: {  	_ =	shalt  }
0x65: {  	_ =	shalt  }
0x66: {  	_ =	shalt  }
0x67: {  	_ =	shalt  }
0x68: {  	_ =	shalt  }
0x69: {  	_ =	shalt  }
0x6a: {  	_ =	shalt  }
0x6b: {  	_ =	shalt  }
0x6c: {  	_ =	shalt  }
0x6d: {  	_ =	shalt  }
0x6e: {  	_ =	shalt  }
0x6f: {  	_ =	shalt  }
0x70: {  	_ =	shalt  }
0x71: {  	_ =	shalt  }
0x72: {  	_ =	shalt  }
0x73: {  	_ =	shalt  }
0x74: {  	_ =	shalt  }
0x75: {  	_ =	shalt  }
0x76: {  	_ =	shalt  }
0x77: {  	_ =	shalt  }
0x78: {  	_ =	shalt  }
0x79: {  	_ =	shalt  }
0x7a: {  	_ =	shalt  }
0x7b: {  	_ =	shalt  }
0x7c: {  	_ =	shalt  }
0x7d: {  	_ =	shalt  }
0x7e: {  	_ =	shalt  }
0x7f: {  	_ =	shalt  }
0x80: {  	_ =	shalt  }
0x81: {  	_ =	shalt  }
0x82: {  	_ =	shalt  }
0x83: {  	_ =	shalt  }
0x84: {  	_ =	shalt  }
0x85: {  	_ =	shalt  }
0x86: {  	_ =	shalt  }
0x87: {  	_ =	shalt  }
.Lfunc_end0:
.L_simem_size_0:
called_computation.1_lowered:
.L_overlay_start_0:
0x88: {  	s2 =	sld [smem:$0x3FD9]  }
0x89: {  	s3 =	sld [smem:$0x3FFE];
	_ =	sdelay $0x1  }
0x8a: {  	s1 =	srdreg.scid  }
0x8b: {  	s0 =	sand.u32 $0x1, s1  }
0x8c: {  	s17 =	sshll.u32 s0, $0xA;
	s2 =	sadd.s32 s3, s2  }
0x8d: {  	s2 =	sadd.s32 s2, s17  }
0x8e: {  	[smem:$0x3FC6] =	sst s2  }
0x8f: {  	_ = 	snop  }
0x90: {  	s2 =	sld [smem:$0x3FD0];
	(tm) =	ssettm $0x1  }
0x91: {  	s18 =	sld [smem:$0x3FFB];
	_ =	sdelay $0x3  }
0x92: {  	_ =	strace s18  }
0x93: {  	s3 =	sld [smem:$0x3FFC];
	_ =	sdelay $0x3  }
0x94: {  	_ =	strace s3  }
0x95: {  	s3 =	sld [smem:$0x3FFD];
	_ =	sdelay $0x3  }
0x96: {  	_ =	strace s3  }
0x97: {  	_ =	strace $0x8FFFFFFF  }
0x98: {  	s19 =	sld [smem:$0x3FDB];
	_ =	sdelay $0x1  }
0x99: {  	s4 =	simm.s32 $_scs_section_size  }
0x9a: {  	s5 =	simm.s32 $_size__tile_overlayer_lowered;
	s6 =	simm.s32 $_tile_overlayer_lowered  }
0x9b: {  	s22 =	simm.s32 $0x1BFF;
	s21 =	sshll.u32 s6, $0x1;
	s3 =	sadd.s32 s4, s19  }
0x9c: {  	s7 =	simm.s32 $0x0;
	s20 =	sshll.u32 s5, $0x1;
	s5 =	sadd.s32 s21, s3  }
0x9d: {  	[timem:s7], [sflag:s22] =	dma.local [hbm:s5], s20  }
0x9e: {  	_ =	swait.ge [sflag:s22], s20  }
0x9f: {  	s4 =	ssub.s32 $0x0, s20;
	[sflag:s22] =	ssyncset.done $0x0  }
0xa0: {  	[sflag:s22] =	ssyncadd.s32 s4;
	_ =	sdelay $0x1  }
0xa1: {  	s23 =	simm.s32 $0x1B8B  }
0xa2: {  	_ =	swait.ge [sflag:s23], $0x1  }
0xa3: {  	[sflag:s23] =	ssyncset.done $0x0  }
0xa4: {  	s25 =	simm.s32 $0x1B8E;
	s24 =	sld [smem:$0x3FFE];
	[sflag:s23] =	ssyncadd.s32 $0xFFFFFFFF  }
0xa5: {  	s26 =	simm.s32 $execute0_lowered;
	[smem:$0x3FD2] =	sst s25  }
0xa6: {  	s5 =	sshll.u32 s26, $0x1;
	_ =	strace $0x80000046;
	[dreg:$0x1] =	wrdreg $0xFFFFFFFF  }
0xa7: {  	s28 =	simm.s32 $_size_execute0_lowered;
	s3 =	sadd.s32 s3, s5;
	[dreg:$0x0] =	wrdreg $0x0  }
0xa8: {  	s5 =	sshll.u32 s28, $0x1;
	[dreg:$0x2] =	wrdreg s3  }
0xa9: {  	[dreg:$0x3] =	wrdreg s5  }
0xaa: {  	[dreg:$0x4] =	wrdreg $0xC0  }
0xab: {  	_ =	task [dreg:s7], $0x5FFFF  }
0xac: {  	[dreg:$0x1] =	wrdreg $0xFFFFFFFF  }
0xad: {  	[dreg:$0x0] =	wrdreg $0x60  }
0xae: {  	[dreg:$0x2] =	wrdreg s2  }
0xaf: {  	[dreg:$0x3] =	wrdreg s24  }
0xb0: {  	[dreg:$0x4] =	wrdreg $0x9  }
0xb1: {  	_ =	task.clear_ibuf [dreg:s7], $0x5FFFF;
	_ =	strace $0x90000046  }
0xb2: {  	s29 =	simm.s32 $0x9;
	_ =	strace $0x80000048  }
0xb3: {  	_ =	swait.ge [sflag:s29], $0x1  }
0xb4: {  	[sflag:s29] =	ssyncadd.s32 $0xFFFFFFFF  }
0xb5: {  	_ =	strace $0x90000048  }
0xb6: {  	_ =	sfence  }
0xb7: {  	s30 =	sld [smem:$0x0];
	_ =	sdelay $0x2  }
0xb8: {  	s31 =	sshll.u32 s1, $0xD;
	s1 =	sshrl.u32 s1, $0x2  }
0xb9: {  	s3 =	sand.u32 $0x4000, s31;
	s1 =	sadd.s32 s1, s30  }
0xba: {  	s0 =	sor.u32 s3, s0;
	s1 =	sshll.u32 s1, $0x11  }
0xbb: {  	s0 =	sor.u32 s1, s0  }
0xbc: {  	s0 =	sadd.s32 $0x8F2B, s0  }
0xbd: {  	[sflag:s0] =	ssyncadd.remote.s32 $0x1  }
0xbe: {  	_ =	sfence.sel $0xFFFF  }
0xbf: {  	[dreg:$0x0] =	wrdreg $0xFFFFFFFF;
	(pc) =	sbr.abs _section_cstart, $3  }
0xc0: {  	[dreg:$0x1] =	wrdreg $0xFFFFFFFF  }
0xc1: {  	_ =	task.clear_ibuf [dreg:s7], $0x2FFFF;
	_ =	strace $0x9FFFFFFF  }
0xc2: {  	(tm) =	ssettm $0x7FFFFFFF  }
0xc3: {  	_ =	shalt  }
tec
execute0_lowered:
.L_overlay_start_1:
0x0: {  	(tag) =	ssettag $0x1  }
0x1: {  	s5 =	rddreg [dreg:$0x0]  }
0x2: {  	s4 =	rddreg [dreg:$0x1];
	s2 =	simm.s32 $0x0  }
0x3: {  	s3 =	srdreg.scid;
	s1 =	stileid.u32;
	s13 =	simm.s32 $0x180  }
0x4: {  	s14 =	simm.s32 $0xC400;
	s15 =	simm.s32 $0xE400;
	s16 =	simm.s32 $0x1  }
0x5: {  	s17 =	simm.s32 $0x40;
	s18 =	simm.s32 $0x10400;
	[smem:$0x7FF] =	sst s2  }
0x6: {  	s6 =	sand.u32 $0x1, s3;
	s7 =	smul.u32 $0xC800, s1;
	s3 =	sadd.s32 $0xF42E00, s4  }
0x7: {  	s4 =	sadd.s32 $0xA00, s4;
	s11 =	smul.u32 $0x640000, s1;
	s12 =	sshll.u32 s1, $0x1  }
0x8: {  	_ =	strace $0x80000047;
	s8 =	ssub.s32 $0x2, s6;
	s9 =	smul.u32 $0x6400, s6  }
0x9: {  	s19 =	smul.u32 $0x320000, s6;
	s6 =	sor.u32 s6, s12;
	s12 =	simm.s32 $0xA400  }
0xa: {  	s10 =	sshrl.u32 s8, $0x1;
	s6 =	smul.u32 $0x6400, s6;
	s7 =	sadd.s32 s9, s7  }
0xb: {  	s8 =	ssub.s32 s8, s10;
	s9 =	sadd.s32 s19, s11;
	s10 =	simm.s32 $0x8400  }
0xc: {  	s11 =	simm.s32 $0x100;
	s19 =	simm.s32 $0x12400;
	s7 =	sshll.u32 s7, $0x4  }
0xd: {  	s21 =	sor.u32 $0x8000, s9;
	s6 =	sshrl.u32 s6, $0x3;
	s23 =	sshrl.u32 s9, $0x3  }
0xe: {  	s24 =	sor.u32 $0x1C000, s9;
	s20 =	sor.u32 $0x1800, s7;
	[dreg:$0x6] =	wrdreg s23  }
0xf: {  	s26 =	sor.u32 $0x18000, s9;
	s7 =	sor.u32 $0x800, s7;
	[dreg:$0x3] =	wrdreg s20  }
0x10: {  	s29 =	sor.u32 $0x14000, s9;
	s22 =	sshrl.u32 s21, $0x3;
	[dreg:$0x4] =	wrdreg s7  }
0x11: {  	s9 =	sor.u32 $0x10000, s9;
	s25 =	sshrl.u32 s24, $0x3;
	[dreg:$0x5] =	wrdreg s22  }
0x12: {  	s28 =	sshrl.u32 s26, $0x3;
	s30 =	sshrl.u32 s29, $0x3;
	[dreg:$0x7] =	wrdreg s25  }
0x13: {  	s5 =	sadd.s32 s5, s6;
	s31 =	sshrl.u32 s9, $0x3;
	[dreg:$0x8] =	wrdreg s28  }
0x14: {  	s6 =	smax.u32 s8, $0x1;
	s8 =	simm.s32 $0x80;
	[dreg:$0x9] =	wrdreg s30  }
0x15: {  	s9 =	simm.s32 $0x6400;
	s21 =	simm.s32 $0x2;
	[dreg:$0xa] =	wrdreg s31  }
0x16: {  	s7 =	simm.s32 $0x3;
	s20 =	simm.s32 $0x14400;
	s22 =	simm.s32 $0x0  }
.LBB2_1:
0x17: {  	[tilespmem:s2], [sflag:$0x3] =	stream.linear.gather [hbm4b:s5+s2], $0x6400, $0x38;
	[tilespmem:$0x16400] =	vst v63  }
0x18: {  	_ =	swait.ge [sflag:s7], $0x6400  }
0x19: {  	[sflag:s7] =	ssyncset.done $0x0  }
0x1a: {  	[sflag:s7] =	ssyncadd.s32 $0xFFFF9C00  }
0x1b: {  	[tilespmem:s9], [sflag:$0x1] =	stream.indirect.gather [hbm4b:s3+s8], $0x40, s2, s8, $0xb8;
	[tilespmem:$0x16400] =	vst v63  }
0x1c: {  	p0 =	por $0x1, $0x1  }
0x1d: {  	[tilespmem:s10], [sflag:$0x1] =	stream.indirect.gather [hbm4b:s3+s8], $0x40, s8, s8, $0xb8;
	[tilespmem:$0x16400] =	vst v63  }
0x1e: {  	p0 =	por p0, p0  }
0x1f: {  	[tilespmem:s12], [sflag:$0x1] =	stream.indirect.gather [hbm4b:s3+s8], $0x40, s11, s8, $0xb8;
	[tilespmem:$0x16400] =	vst v63  }
0x20: {  	s23 =	simm.s32 @!p0 $0x2  }
0x21: {  	[tilespmem:s14], [sflag:$0x1] =	stream.indirect.gather [hbm4b:s3+s8], $0x40, s13, s8, $0xb8;
	[tilespmem:$0x16400] =	vst v63  }
0x22: {  	_ =	swait.ge @!p0 [sflag:s23], $0x2000  }
0x23: {  	[sflag:s23] =	ssyncset.done @!p0 $0x0  }
0x24: {  	s24 =	simm.s32 $0x200;
	[sflag:s23] =	ssyncadd.s32 @!p0 $0xFFFFE000  }
0x25: {  	[tilespmem:s15], [sflag:$0x1] =	stream.indirect.gather [hbm4b:s3+s8], $0x40, s24, s8, $0xb8;
	[tilespmem:$0x16400] =	vst v63  }
0x26: {  	_ =	swait.ge [sflag:s16], $0x2000  }
0x27: {  	s28 =	rddreg [dreg:$0x6];
	[sflag:s16] =	ssyncset.done $0x0  }
0x28: {  	[sflag:s16] =	ssyncadd.s32 $0xFFFFE000;
	s24 =	sadd.s32 s4, s28  }
0x29: {  	[hbm4b:s24+s17] =	stream.strided.scatter [tilespmem:s9], [sflag:$0x2], $0x2000, s8, s17, $0x38;
	[tilespmem:$0x16400] =	vst v63  }
0x2a: {  	_ =	swait.ge @!p0 [sflag:s23], $0x2000  }
0x2b: {  	[sflag:s23] =	ssyncset.done @!p0 $0x0  }
0x2c: {  	s29 =	simm.s32 $0x280;
	[sflag:s23] =	ssyncadd.s32 @!p0 $0xFFFFE000  }
0x2d: {  	[tilespmem:s18], [sflag:$0x1] =	stream.indirect.gather [hbm4b:s3+s8], $0x40, s29, s8, $0xb8;
	[tilespmem:$0x16400] =	vst v63  }
0x2e: {  	_ =	swait.ge [sflag:s16], $0x2000  }
0x2f: {  	s30 =	rddreg [dreg:$0x4];
	[sflag:s16] =	ssyncset.done $0x0  }
0x30: {  	[sflag:s16] =	ssyncadd.s32 $0xFFFFE000;
	s24 =	sadd.s32 s4, s30  }
0x31: {  	[hbm4b:s24+s17] =	stream.strided.scatter [tilespmem:s10], [sflag:$0x2], $0x2000, s8, s17, $0x38;
	[tilespmem:$0x16400] =	vst v63  }
0x32: {  	_ =	swait.ge @!p0 [sflag:s23], $0x2000  }
0x33: {  	[sflag:s23] =	ssyncset.done @!p0 $0x0  }
0x34: {  	s31 =	simm.s32 $0x300;
	[sflag:s23] =	ssyncadd.s32 @!p0 $0xFFFFE000  }
0x35: {  	[tilespmem:s19], [sflag:$0x1] =	stream.indirect.gather [hbm4b:s3+s8], $0x40, s31, s8, $0xb8;
	[tilespmem:$0x16400] =	vst v63  }
0x36: {  	_ =	swait.ge [sflag:s16], $0x2000  }
0x37: {  	s0 =	rddreg [dreg:$0x5];
	[sflag:s16] =	ssyncset.done $0x0  }
0x38: {  	[sflag:s16] =	ssyncadd.s32 $0xFFFFE000;
	s24 =	sadd.s32 s4, s0  }
0x39: {  	[hbm4b:s24+s17] =	stream.strided.scatter [tilespmem:s12], [sflag:$0x2], $0x2000, s8, s17, $0x38;
	[tilespmem:$0x16400] =	vst v63  }
0x3a: {  	_ =	swait.ge @!p0 [sflag:s23], $0x2000  }
0x3b: {  	[sflag:s23] =	ssyncset.done @!p0 $0x0  }
0x3c: {  	s25 =	simm.s32 $0x380;
	[sflag:s23] =	ssyncadd.s32 @!p0 $0xFFFFE000  }
0x3d: {  	[tilespmem:s20], [sflag:$0x1] =	stream.indirect.gather [hbm4b:s3+s8], $0x40, s25, s8, $0xb8;
	[tilespmem:$0x16400] =	vst v63  }
0x3e: {  	_ =	swait.ge [sflag:s16], $0x2000  }
0x3f: {  	s26 =	rddreg [dreg:$0x3];
	[sflag:s16] =	ssyncset.done $0x0  }
0x40: {  	[sflag:s16] =	ssyncadd.s32 $0xFFFFE000;
	s23 =	sadd.s32 s4, s26  }
0x41: {  	[hbm4b:s23+s17] =	stream.strided.scatter [tilespmem:s14], [sflag:$0x2], $0x2000, s8, s17, $0x38;
	[tilespmem:$0x16400] =	vst v63  }
0x42: {  	p0 =	por $0x0, $0x0;
	_ =	swait.ge [sflag:s21], $0x2000  }
0x43: {  	s24 =	simm.s32 @!p0 $0x400;
	[sflag:s21] =	ssyncset.done $0x0  }
0x44: {  	s25 =	simm.s32 @!p0 $0x80;
	s23 =	simm.s32 @!p0 $0x6400;
	[sflag:s21] =	ssyncadd.s32 $0xFFFFE000  }
0x45: {  	[tilespmem:s23], [sflag:$0x1] =	stream.indirect.gather @!p0 [hbm4b:s3+s25], $0x40, s24, s25, $0xb8;
	[tilespmem:$0x16400] =	vst v63  }
0x46: {  	_ =	swait.ge [sflag:s16], $0x2000  }
0x47: {  	s28 =	rddreg [dreg:$0xa];
	[sflag:s16] =	ssyncset.done $0x0  }
0x48: {  	[sflag:s16] =	ssyncadd.s32 $0xFFFFE000;
	s23 =	sadd.s32 s4, s28  }
0x49: {  	[hbm4b:s23+s17] =	stream.strided.scatter [tilespmem:s15], [sflag:$0x2], $0x2000, s8, s17, $0x38;
	[tilespmem:$0x16400] =	vst v63  }
0x4a: {  	_ =	swait.ge [sflag:s21], $0x2000  }
0x4b: {  	[sflag:s21] =	ssyncset.done $0x0  }
0x4c: {  	s24 =	simm.s32 @!p0 $0x8400;
	s23 =	simm.s32 @!p0 $0x480;
	[sflag:s21] =	ssyncadd.s32 $0xFFFFE000  }
0x4d: {  	[tilespmem:s24], [sflag:$0x1] =	stream.indirect.gather @!p0 [hbm4b:s3+s25], $0x40, s23, s25, $0xb8;
	[tilespmem:$0x16400] =	vst v63  }
0x4e: {  	_ =	swait.ge [sflag:s16], $0x2000  }
0x4f: {  	s29 =	rddreg [dreg:$0x9];
	[sflag:s16] =	ssyncset.done $0x0  }
0x50: {  	[sflag:s16] =	ssyncadd.s32 $0xFFFFE000;
	s23 =	sadd.s32 s4, s29  }
0x51: {  	[hbm4b:s23+s17] =	stream.strided.scatter [tilespmem:s18], [sflag:$0x2], $0x2000, s8, s17, $0x38;
	[tilespmem:$0x16400] =	vst v63  }
0x52: {  	_ =	swait.ge [sflag:s21], $0x2000  }
0x53: {  	[sflag:s21] =	ssyncset.done $0x0  }
0x54: {  	s24 =	simm.s32 @!p0 $0xA400;
	s23 =	simm.s32 @!p0 $0x500;
	[sflag:s21] =	ssyncadd.s32 $0xFFFFE000  }
0x55: {  	[tilespmem:s24], [sflag:$0x1] =	stream.indirect.gather @!p0 [hbm4b:s3+s25], $0x40, s23, s25, $0xb8;
	[tilespmem:$0x16400] =	vst v63  }
0x56: {  	_ =	swait.ge [sflag:s16], $0x2000  }
0x57: {  	s30 =	rddreg [dreg:$0x8];
	[sflag:s16] =	ssyncset.done $0x0  }
0x58: {  	[sflag:s16] =	ssyncadd.s32 $0xFFFFE000;
	s23 =	sadd.s32 s4, s30  }
0x59: {  	[hbm4b:s23+s17] =	stream.strided.scatter [tilespmem:s19], [sflag:$0x2], $0x2000, s8, s17, $0x38;
	[tilespmem:$0x16400] =	vst v63  }
0x5a: {  	_ =	swait.ge [sflag:s21], $0x2000  }
0x5b: {  	p6 =	por $0x0, $0x0;
	[sflag:s21] =	ssyncset.done $0x0  }
0x5c: {  	s24 =	simm.s32 @!p0 $0xC400;
	s23 =	simm.s32 @!p0 $0x580;
	[sflag:s21] =	ssyncadd.s32 $0xFFFFE000  }
0x5d: {  	[tilespmem:s24], [sflag:$0x1] =	stream.indirect.gather @!p0 [hbm4b:s3+s25], $0x40, s23, s25, $0xb8;
	[tilespmem:$0x16400] =	vst v63  }
0x5e: {  	s24 =	simm.s32 $0x1000;
	s25 =	simm.s32 $0x2000;
	_ =	swait.ge [sflag:s16], $0x2000  }
0x5f: {  	p0 =	por p6, p6;
	s31 =	rddreg [dreg:$0x7];
	[sflag:s16] =	ssyncset.done $0x0  }
0x60: {  	s23 =	sadd.s32 $0x4000, s4;
	[sflag:s16] =	ssyncadd.s32 $0xFFFFE000;
	s26 =	sadd.s32 s4, s31  }
.LBB2_2:
0x61: {  	[hbm4b:s26+s17] =	stream.strided.scatter [tilespmem:s20], [sflag:$0x2], $0x2000, s8, s17, $0x38;
	[tilespmem:$0x16400] =	vst v63  }
0x62: {  	s28 =	simm.s32 @!p0 $0x2  }
0x63: {  	_ =	swait.ge @!p0 [sflag:s28], $0x2000  }
0x64: {  	s29 =	sshra.s32 s24, $0x2;
	[sflag:s28] =	ssyncset.done @!p0 $0x0  }
0x65: {  	s30 =	sadd.s32 $0x200, s29;
	[sflag:s28] =	ssyncadd.s32 @!p0 $0xFFFFE000  }
0x66: {  	[tilespmem:s15], [sflag:$0x1] =	stream.indirect.gather [hbm4b:s3+s8], $0x40, s30, s8, $0xb8;
	[tilespmem:$0x16400] =	vst v63  }
0x67: {  	_ =	swait.ge [sflag:s16], $0x2000  }
0x68: {  	s0 =	rddreg [dreg:$0x6];
	[sflag:s16] =	ssyncset.done $0x0  }
0x69: {  	[sflag:s16] =	ssyncadd.s32 $0xFFFFE000;
	s30 =	sadd.s32 s23, s0  }
0x6a: {  	[hbm4b:s30+s17] =	stream.strided.scatter [tilespmem:s9], [sflag:$0x2], $0x2000, s8, s17, $0x38;
	[tilespmem:$0x16400] =	vst v63  }
0x6b: {  	_ =	swait.ge @!p0 [sflag:s28], $0x2000  }
0x6c: {  	[sflag:s28] =	ssyncset.done @!p0 $0x0  }
0x6d: {  	s31 =	sadd.s32 $0x280, s29;
	[sflag:s28] =	ssyncadd.s32 @!p0 $0xFFFFE000  }
0x6e: {  	[tilespmem:s18], [sflag:$0x1] =	stream.indirect.gather [hbm4b:s3+s8], $0x40, s31, s8, $0xb8;
	[tilespmem:$0x16400] =	vst v63  }
0x6f: {  	_ =	swait.ge [sflag:s16], $0x2000  }
0x70: {  	s0 =	rddreg [dreg:$0x4];
	[sflag:s16] =	ssyncset.done $0x0  }
0x71: {  	[sflag:s16] =	ssyncadd.s32 $0xFFFFE000;
	s30 =	sadd.s32 s23, s0  }
0x72: {  	[hbm4b:s30+s17] =	stream.strided.scatter [tilespmem:s10], [sflag:$0x2], $0x2000, s8, s17, $0x38;
	[tilespmem:$0x16400] =	vst v63  }
0x73: {  	_ =	swait.ge @!p0 [sflag:s28], $0x2000  }
0x74: {  	[sflag:s28] =	ssyncset.done @!p0 $0x0  }
0x75: {  	s31 =	sadd.s32 $0x300, s29;
	[sflag:s28] =	ssyncadd.s32 @!p0 $0xFFFFE000  }
0x76: {  	[tilespmem:s19], [sflag:$0x1] =	stream.indirect.gather [hbm4b:s3+s8], $0x40, s31, s8, $0xb8;
	[tilespmem:$0x16400] =	vst v63  }
0x77: {  	_ =	swait.ge [sflag:s16], $0x2000  }
0x78: {  	s0 =	rddreg [dreg:$0x5];
	[sflag:s16] =	ssyncset.done $0x0  }
0x79: {  	[sflag:s16] =	ssyncadd.s32 $0xFFFFE000;
	s30 =	sadd.s32 s23, s0  }
0x7a: {  	[hbm4b:s30+s17] =	stream.strided.scatter [tilespmem:s12], [sflag:$0x2], $0x2000, s8, s17, $0x38;
	[tilespmem:$0x16400] =	vst v63  }
0x7b: {  	_ =	swait.ge @!p0 [sflag:s28], $0x2000  }
0x7c: {  	[sflag:s28] =	ssyncset.done @!p0 $0x0  }
0x7d: {  	s29 =	sadd.s32 $0x380, s29;
	[sflag:s28] =	ssyncadd.s32 @!p0 $0xFFFFE000  }
0x7e: {  	[tilespmem:s20], [sflag:$0x1] =	stream.indirect.gather [hbm4b:s3+s8], $0x40, s29, s8, $0xb8;
	[tilespmem:$0x16400] =	vst v63  }
0x7f: {  	_ =	swait.ge [sflag:s16], $0x2000  }
0x80: {  	s26 =	smov.u32 s25;
	s30 =	rddreg [dreg:$0x3];
	[sflag:s16] =	ssyncset.done $0x0  }
0x81: {  	p2 =	seq.s32 s26, $0x0;
	[sflag:s16] =	ssyncadd.s32 $0xFFFFE000;
	s28 =	sadd.s32 s23, s30  }
0x82: {  	[hbm4b:s28+s17] =	stream.strided.scatter [tilespmem:s14], [sflag:$0x2], $0x2000, s8, s17, $0x38;
	[tilespmem:$0x16400] =	vst v63  }
0x83: {  	p0 =	por p2, p2;
	p2 =	seq.s32 s24, $0x18000;
	_ =	swait.ge [sflag:s21], $0x2000  }
0x84: {  	s24 =	sshra.s32 @!p2 s24, $0x2;
	s29 =	simm.s32 @!p2 $0x6400;
	[sflag:s21] =	ssyncset.done $0x0  }
0x85: {  	s30 =	sadd.s32 @!p2 $0x400, s24;
	s28 =	simm.s32 @!p2 $0x80;
	[sflag:s21] =	ssyncadd.s32 $0xFFFFE000  }
0x86: {  	[tilespmem:s29], [sflag:$0x1] =	stream.indirect.gather @!p2 [hbm4b:s3+s28], $0x40, s30, s28, $0xb8;
	[tilespmem:$0x16400] =	vst v63  }
0x87: {  	_ =	swait.ge [sflag:s16], $0x2000  }
0x88: {  	s31 =	rddreg [dreg:$0xa];
	[sflag:s16] =	ssyncset.done $0x0  }
0x89: {  	[sflag:s16] =	ssyncadd.s32 $0xFFFFE000;
	s31 =	sadd.s32 s23, s31  }
0x8a: {  	[hbm4b:s31+s17] =	stream.strided.scatter [tilespmem:s15], [sflag:$0x2], $0x2000, s8, s17, $0x38;
	[tilespmem:$0x16400] =	vst v63  }
0x8b: {  	s0 =	sadd.s32 @!p2 $0x580, s24;
	_ =	swait.ge [sflag:s21], $0x2000  }
0x8c: {  	s29 =	sadd.s32 @!p2 $0x480, s24;
	s30 =	sadd.s32 @!p2 $0x500, s24;
	[sflag:s21] =	ssyncset.done $0x0  }
0x8d: {  	s24 =	smov.u32 s26;
	s26 =	simm.s32 @!p2 $0x8400;
	[sflag:s21] =	ssyncadd.s32 $0xFFFFE000  }
0x8e: {  	[tilespmem:s26], [sflag:$0x1] =	stream.indirect.gather @!p2 [hbm4b:s3+s28], $0x40, s29, s28, $0xb8;
	[tilespmem:$0x16400] =	vst v63  }
0x8f: {  	_ =	swait.ge [sflag:s16], $0x2000  }
0x90: {  	s29 =	rddreg [dreg:$0x9];
	[sflag:s16] =	ssyncset.done $0x0  }
0x91: {  	[sflag:s16] =	ssyncadd.s32 $0xFFFFE000;
	s26 =	sadd.s32 s23, s29  }
0x92: {  	[hbm4b:s26+s17] =	stream.strided.scatter [tilespmem:s18], [sflag:$0x2], $0x2000, s8, s17, $0x38;
	[tilespmem:$0x16400] =	vst v63  }
0x93: {  	_ =	swait.ge [sflag:s21], $0x2000  }
0x94: {  	[sflag:s21] =	ssyncset.done $0x0  }
0x95: {  	s26 =	simm.s32 @!p2 $0xA400;
	[sflag:s21] =	ssyncadd.s32 $0xFFFFE000  }
0x96: {  	[tilespmem:s26], [sflag:$0x1] =	stream.indirect.gather @!p2 [hbm4b:s3+s28], $0x40, s30, s28, $0xb8;
	[tilespmem:$0x16400] =	vst v63  }
0x97: {  	_ =	swait.ge [sflag:s16], $0x2000  }
0x98: {  	s30 =	rddreg [dreg:$0x8];
	[sflag:s16] =	ssyncset.done $0x0  }
0x99: {  	[sflag:s16] =	ssyncadd.s32 $0xFFFFE000;
	s26 =	sadd.s32 s23, s30  }
0x9a: {  	[hbm4b:s26+s17] =	stream.strided.scatter [tilespmem:s19], [sflag:$0x2], $0x2000, s8, s17, $0x38;
	[tilespmem:$0x16400] =	vst v63  }
0x9b: {  	s25 =	sadd.s32 $0x1000, s25;
	_ =	swait.ge [sflag:s21], $0x2000  }
0x9c: {  	p1 =	sne.s32 s25, $0x19000;
	[sflag:s21] =	ssyncset.done $0x0  }
.Ltmp0:
0x9d: {  	s26 =	simm.s32 @!p2 $0xC400;
	[sflag:s21] =	ssyncadd.s32 $0xFFFFE000;
	(pc) =	sbr.rel @p1 .LBB2_2-.Ltmp0, $4  }
0x9e: {  	[tilespmem:s26], [sflag:$0x1] =	stream.indirect.gather @!p2 [hbm4b:s3+s28], $0x40, s0, s28, $0xb8;
	[tilespmem:$0x16400] =	vst v63  }
0x9f: {  	_ =	swait.ge [sflag:s16], $0x2000  }
0xa0: {  	[sflag:s16] =	ssyncset.done $0x0;
	s31 =	rddreg [dreg:$0x7]  }
0xa1: {  	[sflag:s16] =	ssyncadd.s32 $0xFFFFE000;
	s26 =	sadd.s32 s23, s31;
	s23 =	sadd.s32 $0x4000, s23  }
0xa2: {  	[hbm4b:s26+s17] =	stream.strided.scatter [tilespmem:s20], [sflag:$0x2], $0x2000, s8, s17, $0x38;
	[tilespmem:$0x16400] =	vst v63  }
0xa3: {  	s0 =	simm.s32 @!p0 $0x2  }
0xa4: {  	_ =	swait.ge @!p0 [sflag:s0], $0x2000  }
0xa5: {  	s25 =	sshra.s32 s24, $0x2;
	[sflag:s0] =	ssyncset.done @!p0 $0x0  }
0xa6: {  	s30 =	sadd.s32 $0x200, s25;
	[sflag:s0] =	ssyncadd.s32 @!p0 $0xFFFFE000  }
0xa7: {  	[tilespmem:s15], [sflag:$0x1] =	stream.indirect.gather [hbm4b:s3+s8], $0x40, s30, s8, $0xb8;
	[tilespmem:$0x16400] =	vst v63  }
0xa8: {  	_ =	swait.ge [sflag:s16], $0x2000  }
0xa9: {  	s31 =	rddreg [dreg:$0x6];
	[sflag:s16] =	ssyncset.done $0x0  }
0xaa: {  	[sflag:s16] =	ssyncadd.s32 $0xFFFFE000;
	s26 =	sadd.s32 s23, s31  }
0xab: {  	[hbm4b:s26+s17] =	stream.strided.scatter [tilespmem:s9], [sflag:$0x2], $0x2000, s8, s17, $0x38;
	[tilespmem:$0x16400] =	vst v63  }
0xac: {  	_ =	swait.ge @!p0 [sflag:s0], $0x2000  }
0xad: {  	[sflag:s0] =	ssyncset.done @!p0 $0x0  }
0xae: {  	s28 =	sadd.s32 $0x280, s25;
	[sflag:s0] =	ssyncadd.s32 @!p0 $0xFFFFE000  }
0xaf: {  	[tilespmem:s18], [sflag:$0x1] =	stream.indirect.gather [hbm4b:s3+s8], $0x40, s28, s8, $0xb8;
	[tilespmem:$0x16400] =	vst v63  }
0xb0: {  	_ =	swait.ge [sflag:s16], $0x2000  }
0xb1: {  	s29 =	rddreg [dreg:$0x4];
	[sflag:s16] =	ssyncset.done $0x0  }
0xb2: {  	[sflag:s16] =	ssyncadd.s32 $0xFFFFE000;
	s26 =	sadd.s32 s23, s29  }
0xb3: {  	[hbm4b:s26+s17] =	stream.strided.scatter [tilespmem:s10], [sflag:$0x2], $0x2000, s8, s17, $0x38;
	[tilespmem:$0x16400] =	vst v63  }
0xb4: {  	_ =	swait.ge @!p0 [sflag:s0], $0x2000  }
0xb5: {  	[sflag:s0] =	ssyncset.done @!p0 $0x0  }
0xb6: {  	s30 =	sadd.s32 $0x300, s25;
	[sflag:s0] =	ssyncadd.s32 @!p0 $0xFFFFE000  }
0xb7: {  	[tilespmem:s19], [sflag:$0x1] =	stream.indirect.gather [hbm4b:s3+s8], $0x40, s30, s8, $0xb8;
	[tilespmem:$0x16400] =	vst v63  }
0xb8: {  	_ =	swait.ge [sflag:s16], $0x2000  }
0xb9: {  	s31 =	rddreg [dreg:$0x5];
	[sflag:s16] =	ssyncset.done $0x0  }
0xba: {  	[sflag:s16] =	ssyncadd.s32 $0xFFFFE000;
	s26 =	sadd.s32 s23, s31  }
0xbb: {  	[hbm4b:s26+s17] =	stream.strided.scatter [tilespmem:s12], [sflag:$0x2], $0x2000, s8, s17, $0x38;
	[tilespmem:$0x16400] =	vst v63  }
0xbc: {  	_ =	swait.ge @!p0 [sflag:s0], $0x2000  }
0xbd: {  	[sflag:s0] =	ssyncset.done @!p0 $0x0  }
0xbe: {  	s25 =	sadd.s32 $0x380, s25;
	[sflag:s0] =	ssyncadd.s32 @!p0 $0xFFFFE000  }
0xbf: {  	[tilespmem:s20], [sflag:$0x1] =	stream.indirect.gather [hbm4b:s3+s8], $0x40, s25, s8, $0xb8;
	[tilespmem:$0x16400] =	vst v63  }
0xc0: {  	_ =	swait.ge [sflag:s16], $0x2000  }
0xc1: {  	s26 =	rddreg [dreg:$0x3];
	[sflag:s16] =	ssyncset.done $0x0  }
0xc2: {  	[sflag:s16] =	ssyncadd.s32 $0xFFFFE000;
	s0 =	sadd.s32 s23, s26  }
0xc3: {  	[hbm4b:s0+s17] =	stream.strided.scatter [tilespmem:s14], [sflag:$0x2], $0x2000, s8, s17, $0x38;
	[tilespmem:$0x16400] =	vst v63  }
0xc4: {  	p0 =	seq.s32 s24, $0x18000;
	_ =	swait.ge [sflag:s21], $0x2000  }
0xc5: {  	s26 =	simm.s32 @!p0 $0x80;
	s0 =	sshra.s32 @!p0 s24, $0x2;
	[sflag:s21] =	ssyncset.done $0x0  }
0xc6: {  	s24 =	simm.s32 @!p0 $0x6400;
	s25 =	sadd.s32 @!p0 $0x400, s0;
	[sflag:s21] =	ssyncadd.s32 $0xFFFFE000  }
0xc7: {  	[tilespmem:s24], [sflag:$0x1] =	stream.indirect.gather @!p0 [hbm4b:s3+s26], $0x40, s25, s26, $0xb8;
	[tilespmem:$0x16400] =	vst v63  }
0xc8: {  	_ =	swait.ge [sflag:s16], $0x2000  }
0xc9: {  	s28 =	rddreg [dreg:$0xa];
	[sflag:s16] =	ssyncset.done $0x0  }
0xca: {  	[sflag:s16] =	ssyncadd.s32 $0xFFFFE000;
	s24 =	sadd.s32 s23, s28  }
0xcb: {  	[hbm4b:s24+s17] =	stream.strided.scatter [tilespmem:s15], [sflag:$0x2], $0x2000, s8, s17, $0x38;
	[tilespmem:$0x16400] =	vst v63  }
0xcc: {  	_ =	swait.ge [sflag:s21], $0x2000  }
0xcd: {  	[sflag:s21] =	ssyncset.done $0x0  }
0xce: {  	s25 =	simm.s32 @!p0 $0x8400;
	s24 =	sadd.s32 @!p0 $0x480, s0;
	[sflag:s21] =	ssyncadd.s32 $0xFFFFE000  }
0xcf: {  	[tilespmem:s25], [sflag:$0x1] =	stream.indirect.gather @!p0 [hbm4b:s3+s26], $0x40, s24, s26, $0xb8;
	[tilespmem:$0x16400] =	vst v63  }
0xd0: {  	_ =	swait.ge [sflag:s16], $0x2000  }
0xd1: {  	s29 =	rddreg [dreg:$0x9];
	[sflag:s16] =	ssyncset.done $0x0  }
0xd2: {  	[sflag:s16] =	ssyncadd.s32 $0xFFFFE000;
	s24 =	sadd.s32 s23, s29  }
0xd3: {  	[hbm4b:s24+s17] =	stream.strided.scatter [tilespmem:s18], [sflag:$0x2], $0x2000, s8, s17, $0x38;
	[tilespmem:$0x16400] =	vst v63  }
0xd4: {  	_ =	swait.ge [sflag:s21], $0x2000  }
0xd5: {  	[sflag:s21] =	ssyncset.done $0x0  }
0xd6: {  	s25 =	simm.s32 @!p0 $0xA400;
	s24 =	sadd.s32 @!p0 $0x500, s0;
	[sflag:s21] =	ssyncadd.s32 $0xFFFFE000  }
0xd7: {  	[tilespmem:s25], [sflag:$0x1] =	stream.indirect.gather @!p0 [hbm4b:s3+s26], $0x40, s24, s26, $0xb8;
	[tilespmem:$0x16400] =	vst v63  }
0xd8: {  	_ =	swait.ge [sflag:s16], $0x2000  }
0xd9: {  	s30 =	rddreg [dreg:$0x8];
	[sflag:s16] =	ssyncset.done $0x0  }
0xda: {  	[sflag:s16] =	ssyncadd.s32 $0xFFFFE000;
	s24 =	sadd.s32 s23, s30  }
0xdb: {  	[hbm4b:s24+s17] =	stream.strided.scatter [tilespmem:s19], [sflag:$0x2], $0x2000, s8, s17, $0x38;
	[tilespmem:$0x16400] =	vst v63  }
0xdc: {  	_ =	swait.ge [sflag:s21], $0x2000  }
0xdd: {  	[sflag:s21] =	ssyncset.done $0x0  }
0xde: {  	s0 =	sadd.s32 @!p0 $0x580, s0;
	s24 =	simm.s32 @!p0 $0xC400;
	[sflag:s21] =	ssyncadd.s32 $0xFFFFE000  }
0xdf: {  	[tilespmem:s24], [sflag:$0x1] =	stream.indirect.gather @!p0 [hbm4b:s3+s26], $0x40, s0, s26, $0xb8;
	[tilespmem:$0x16400] =	vst v63  }
0xe0: {  	_ =	swait.ge [sflag:s16], $0x2000  }
0xe1: {  	s31 =	rddreg [dreg:$0x7];
	[sflag:s16] =	ssyncset.done $0x0  }
0xe2: {  	[sflag:s16] =	ssyncadd.s32 $0xFFFFE000;
	s0 =	sadd.s32 s23, s31  }
0xe3: {  	[hbm4b:s0+s17] =	stream.strided.scatter [tilespmem:s20], [sflag:$0x2], $0x2000, s8, s17, $0x38;
	[tilespmem:$0x16400] =	vst v63  }
0xe4: {  	_ =	swait.ge [sflag:s21], $0x2000  }
0xe5: {  	[sflag:s21] =	ssyncset.done $0x0  }
0xe6: {  	[sflag:s21] =	ssyncadd.s32 $0xFFFFE000  }
0xe7: {  	_ =	swait.ge [sflag:s21], $0x2000  }
0xe8: {  	[sflag:s21] =	ssyncset.done $0x0  }
0xe9: {  	s22 =	sadd.s32 $0x1, s22;
	[sflag:s21] =	ssyncadd.s32 $0xFFFFE000  }
0xea: {  	p0 =	sne.s32 s22, s6;
	_ =	swait.ge [sflag:s21], $0x2000  }
.Ltmp1:
0xeb: {  	[sflag:s21] =	ssyncset.done $0x0;
	(pc) =	sbr.rel @p0 .LBB2_1-.Ltmp1, $4  }
0xec: {  	[sflag:s21] =	ssyncadd.s32 $0xFFFFE000  }
0xed: {  	_ =	swait.ge [sflag:s21], $0x2000  }
0xee: {  	[sflag:s21] =	ssyncset.done $0x0  }
0xef: {  	[sflag:s21] =	ssyncadd.s32 $0xFFFFE000  }
0xf0: {  	_ =	sfence.sel $0x180000  }
0xf1: {  	[bflag:$0x0] =	sbarrier.arrive $0xFFFF  }
0xf2: {  	_ =	strace $0x90000047  }
0xf3: {  	[bflag:$0x2] =	sbarrier.arrive $0xFFFF  }
0xf4: {  	p0 =	sne.s32 s1, $0x0;
	s0 =	rddreg [dreg:$0x2]  }
0xf5: {  	s0 =	sadd.s32 @!p0 $0x100000, s0  }
0xf6: {  	[sflag:s0] =	ssyncadd.tile.s32 @!p0 $0x1;
	_ =	shalt  }
.Lfunc_end2:
_tile_overlayer_lowered:
.L_overlay_start_2:
0xf7: {  	(tag) =	ssettag $0x2  }
0xf8: {  	s0 =	rddreg [dreg:$0x0];
	s2 =	stileid.u32  }
0xf9: {  	s1 =	rddreg [dreg:$0x1];
	p0 =	sne.s32 s2, $0x0  }
0xfa: {  	s3 =	rddreg [dreg:$0x2];
	[bflag:$0x3] =	sbarrier.arrive $0xFFFF;
	s2 =	simm.s32 @!p0 $0x1C03  }
0xfb: {  	[timem:s3], [sflag:s2] =	dma.local @!p0 [hbm:s0], s1  }
0xfc: {  	s0 =	simm.s32 @!p0 $0x3  }
0xfd: {  	_ =	swait.ge @!p0 [sflag:s0], s1  }
0xfe: {  	s1 =	ssub.s32 @!p0 $0x0, s1;
	[sflag:s0] =	ssyncset.done @!p0 $0x0  }
0xff: {  	[sflag:s0] =	ssyncadd.s32 @!p0 s1  }
0x100: {  	[bflag:$0x3] =	sbarrier.arrive $0xFFFF  }
0x101: {  	_ =	shalt  }

// kernel: sparse-core-data-format-call.cloned.1.call-start
scs
called_computation_lowered:
.L_overlay_start_0:
0x0: {  	s2 =	sld [smem:$0x3FD9]  }
0x1: {  	s3 =	sld [smem:$0x3FFE];
	_ =	sdelay $0x1  }
0x2: {  	s1 =	srdreg.scid  }
0x3: {  	s0 =	sand.u32 $0x1, s1  }
0x4: {  	s18 =	sshll.u32 s0, $0xA;
	s2 =	sadd.s32 s3, s2  }
0x5: {  	s2 =	sadd.s32 s2, s18  }
0x6: {  	[smem:$0x3FC6] =	sst s2  }
0x7: {  	_ = 	snop  }
0x8: {  	s2 =	sld [smem:$0x3FD0];
	(tm) =	ssettm $0x1  }
0x9: {  	s19 =	sld [smem:$0x3FFB];
	_ =	sdelay $0x3  }
0xa: {  	_ =	strace s19  }
0xb: {  	s3 =	sld [smem:$0x3FFC];
	_ =	sdelay $0x3  }
0xc: {  	_ =	strace s3  }
0xd: {  	s3 =	sld [smem:$0x3FFD];
	_ =	sdelay $0x3  }
0xe: {  	_ =	strace s3  }
0xf: {  	_ =	strace $0x8FFFFFFF  }
0x10: {  	s20 =	sld [smem:$0x3FDB];
	_ =	sdelay $0x1  }
0x11: {  	s4 =	simm.s32 $_scs_section_size  }
0x12: {  	s5 =	simm.s32 $_size__tile_overlayer_lowered;
	s6 =	simm.s32 $_tile_overlayer_lowered  }
0x13: {  	s23 =	simm.s32 $0x1BFF;
	s22 =	sshll.u32 s6, $0x1;
	s3 =	sadd.s32 s4, s20  }
0x14: {  	s7 =	simm.s32 $0x0;
	s21 =	sshll.u32 s5, $0x1;
	s5 =	sadd.s32 s22, s3  }
0x15: {  	[timem:s7], [sflag:s23] =	dma.local [hbm:s5], s21  }
0x16: {  	_ =	swait.ge [sflag:s23], s21  }
0x17: {  	s4 =	ssub.s32 $0x0, s21;
	[sflag:s23] =	ssyncset.done $0x0  }
0x18: {  	[sflag:s23] =	ssyncadd.s32 s4;
	_ =	sdelay $0x1  }
0x19: {  	s24 =	simm.s32 $0x1B8B  }
0x1a: {  	_ =	swait.ge [sflag:s24], $0x1  }
0x1b: {  	[sflag:s24] =	ssyncset.done $0x0  }
0x1c: {  	s26 =	simm.s32 $0x1B8E;
	s25 =	sld [smem:$0x3FFE];
	[sflag:s24] =	ssyncadd.s32 $0xFFFFFFFF  }
0x1d: {  	s27 =	simm.s32 $execute0_lowered;
	[smem:$0x3FD2] =	sst s26  }
0x1e: {  	s5 =	sshll.u32 s27, $0x1;
	_ =	strace $0x80000049;
	[dreg:$0x1] =	wrdreg $0xFFFFFFFF  }
0x1f: {  	s28 =	simm.s32 $_size_execute0_lowered;
	s3 =	sadd.s32 s3, s5;
	[dreg:$0x0] =	wrdreg $0x0  }
0x20: {  	s5 =	sshll.u32 s28, $0x1;
	[dreg:$0x2] =	wrdreg s3  }
0x21: {  	[dreg:$0x3] =	wrdreg s5  }
0x22: {  	[dreg:$0x4] =	wrdreg $0xC0  }
0x23: {  	_ =	task [dreg:s7], $0x5FFFF  }
0x24: {  	[dreg:$0x1] =	wrdreg $0xFFFFFFFF  }
0x25: {  	[dreg:$0x0] =	wrdreg $0x60  }
0x26: {  	[dreg:$0x2] =	wrdreg s25  }
0x27: {  	[dreg:$0x3] =	wrdreg s2  }
0x28: {  	[dreg:$0x4] =	wrdreg $0x9  }
0x29: {  	_ =	task.clear_ibuf [dreg:s7], $0x5FFFF;
	_ =	strace $0x90000049  }
0x2a: {  	s29 =	simm.s32 $0x9;
	_ =	strace $0x8000004B  }
0x2b: {  	_ =	swait.ge [sflag:s29], $0x1  }
0x2c: {  	[sflag:s29] =	ssyncadd.s32 $0xFFFFFFFF  }
0x2d: {  	_ =	strace $0x9000004B  }
0x2e: {  	_ =	sfence  }
0x2f: {  	s30 =	sld [smem:$0x0];
	_ =	sdelay $0x2  }
0x30: {  	s31 =	sshll.u32 s1, $0xD;
	s1 =	sshrl.u32 s1, $0x2  }
0x31: {  	s3 =	sand.u32 $0x4000, s31;
	s1 =	sadd.s32 s1, s30  }
0x32: {  	s0 =	sor.u32 s3, s0;
	s1 =	sshll.u32 s1, $0x11  }
0x33: {  	s0 =	sor.u32 s1, s0  }
0x34: {  	s0 =	sadd.s32 $0x8F2B, s0  }
0x35: {  	[sflag:s0] =	ssyncadd.remote.s32 $0x1  }
0x36: {  	_ =	sfence.sel $0xFFFF  }
0x37: {  	[dreg:$0x0] =	wrdreg $0xFFFFFFFF;
	(pc) =	sbr.abs _section_cstart, $3  }
0x38: {  	[dreg:$0x1] =	wrdreg $0xFFFFFFFF  }
0x39: {  	_ =	task.clear_ibuf [dreg:s7], $0x2FFFF;
	_ =	strace $0x9FFFFFFF  }
0x3a: {  	(tm) =	ssettm $0x7FFFFFFF  }
0x3b: {  	_ =	shalt  }
tec
execute0_lowered:
.L_overlay_start_1:
0x0: {  	(tag) =	ssettag $0x1  }
0x1: {  	s0 =	srdreg.scid  }
0x2: {  	s1 =	sshll.u32 s0, $0x4  }
0x3: {  	s0 =	stileid.u32;
	s1 =	sand.u32 $0x10, s1  }
0x4: {  	s1 =	sor.u32 s0, s1  }
0x5: {  	s6 =	rddreg [dreg:$0x0];
	s4 =	simm.s32 $0x1;
	s2 =	sshll.u32 s1, $0x7  }
0x6: {  	s7 =	simm.s32 $0x2;
	s12 =	simm.s32 $0x0;
	s1 =	ssub.s32 $0x1000, s2  }
0x7: {  	s8 =	simm.s32 $0x8000;
	s13 =	simm.s32 $0x0;
	s3 =	sand.u32 $0xF80, s1  }
0x8: {  	s9 =	simm.s32 $0x0;
	s5 =	sshrl.u32 s1, $0xC;
	p0 =	sne.s32 s3, $0x0  }
.Ltmp0:
0x9: {  	s1 =	rddreg [dreg:$0x2];
	s4 =	simm.s32 @!p0 $0x0;
	(pc) =	sbr.rel .LBB1_1-.Ltmp0, $4  }
0xa: {  	s11 =	simm.s32 $0x0;
	s3 =	rddreg [dreg:$0x1];
	s5 =	sadd.s32 s4, s5  }
0xb: {  	_ =	strace $0x8000004A;
	s4 =	simm.s32 $0x1;
	s5 =	smul.u32 $0xC8, s5  }
0xc: {  	s6 =	sadd.s32 $0xA00, s6;
	s10 =	smov.u32 s2;
	[sflag:s4] =	ssyncpa.u1 $0x0  }
0xd: {  	p0 =	por $0x0, $0x0;
	[sflag:s7] =	ssyncpa.u1 $0x0;
	s7 =	sor.u32 $0x1, s5  }
.LBB1_4:
0xe: {  	s16 =	sshll.u32 s13, $0x3;
	s17 =	sand.u32 $0x78, s13  }
0xf: {  	s30 =	sand.u32 $0x7E00, s13;
	s12 =	sshll.u32 s12, $0xF;
	s16 =	sand.u32 $0xC00, s16  }
0x10: {  	[tilespmem:s15+$0x810 ss:$0x81] =	vst.msk $0xffff, v2;
	s31 =	sand.u32 $0x7, s13;
	s16 =	sor.u32 s17, s16;
	s17 =	sadd.s32 s3, s30  }
0x11: {  	[tilespmem:s15+$0x1020 ss:$0x81] =	vst.msk $0xffff, v0;
	s13 =	sshll.u32 s31, $0x12;
	s12 =	sadd.s32 s12, s17;
	s16 =	sshrl.u32 s16, $0x3  }
0x12: {  	[tilespmem:s15+$0x0 ss:$0x81] =	vst.msk $0xffff, v1;
	s13 =	sor.u32 $0x400, s13;
	s12 =	sadd.s32 s16, s12  }
0x13: {  	[hbm4b:s12+s13] =	stream.strided.scatter [tilespmem:s14], [sflag:$0x2], $0x2000, s8, s13, $0x20;
	[tilespmem:$0x8080] =	vst v63  }
.LBB1_5:
0x14: {  	s14 =	sadd.s32 $0x1, s9  }
0x15: {  	s12 =	sadd.s32 $0x1000, s10;
	s16 =	smov.u32 s10;
	p2 =	sgt.s32 s14, $0xC7  }
0x16: {  	s16 =	smov.u32 @p2 s12  }
0x17: {  	s14 =	simm.s32 @p2 $0x0;
	p2 =	sgt.s32 s16, $0xFFF  }
0x18: {  	s16 =	smov.u32 @p2 s2;
	p2 =	sne.s32 s11, s7  }
.Ltmp1:
0x19: {  	p1 =	slt.u32 s11, $0x2;
	(pc) =	sbr.rel @!p2 .LBB1_6-.Ltmp1, $4  }
0x1a: {  	s15 =	simm.s32 @!p1 $0x2  }
0x1b: {  	s13 =	smov.u32 s10;
	p0 =	por !p0, !p0;
	_ =	swait.ge @!p1 [sflag:s15], $0x2000  }
0x1c: {  	s12 =	smov.u32 s9;
	[sflag:s15] =	ssyncset.done @!p1 $0x0;
	s9 =	smov.u32 s14  }
0x1d: {  	s11 =	sadd.s32 $0x1, s11;
	[sflag:s15] =	ssyncadd.s32 @!p1 $0xFFFFE000;
	s10 =	smov.u32 s16  }
.LBB1_1:
0x1e: {  	p1 =	sge.u32 s11, s5  }
0x1f: {  	s14 =	sand.u32 @!p1 $0x1FFFFFF, s9  }
0x20: {  	s15 =	smulhi.u32 @!p1 $0x147AE15, s14;
	_ =	sdelay $0x1  }
0x21: {  	s15 =	smul.u32 @!p1 $0xC8, s15  }
0x22: {  	s16 =	sxor.u32 @!p1 $0xFFFFFFFF, s11;
	s17 =	smul.u32 @!p1 $0xC80, s10  }
0x23: {  	s31 =	sadd.s32 $0xFFFFFFFF, s11;
	s16 =	sshll.u32 @!p1 s16, $0xD;
	s14 =	ssub.s32 @!p1 s14, s15  }
0x24: {  	s15 =	sand.u32 @!p1 $0x2000, s16;
	s16 =	sadd.s32 @!p1 s6, s17;
	s14 =	sshll.u32 @!p1 s14, $0x4  }
0x25: {  	s17 =	simm.s32 @!p1 $0x6400;
	s14 =	sadd.s32 @!p1 s14, s16;
	s16 =	simm.s32 @!p1 $0x40  }
0x26: {  	[tilespmem:s15], [sflag:$0x1] =	stream.strided.gather @!p1 [hbm4b:s14+s16], $0x2000, s17, s16, $0x38;
	[tilespmem:$0x8080] =	vst v63  }
0x27: {  	p1 =	sge.u32 s31, s5  }
.Ltmp2:
0x28: {  	_ = 	snop;
	(pc) =	sbr.rel @p1 .LBB1_5-.Ltmp2, $1  }
0x29: {  	_ =	sdelay $0x3  }
0x2a: {  	s14 =	simm.s32 $0x1  }
0x2b: {  	_ =	swait.ge [sflag:s4], $0x2000;
	s14 =	simm.s32 @!p0 $0x0  }
0x2c: {  	[sflag:s4] =	ssyncset.done $0x0;
	s15 =	sshll.u32 s14, $0xD  }
0x2d: {  	[sflag:s4] =	ssyncadd.s32 $0xFFFFE000;
	s18 =	sor.u32 $0x20, s15  }
0x2e: {  	s14 =	smul.u32 $0x8100, s14;
	v3 =	vld [tilespmem:s18+$0x10]  }
0x2f: {  	s30 =	sand.u32 $0x1, s11;
	v2 =	vld [tilespmem:s18+$0xFFFFFFF0]  }
0x30: {  	s15 =	smul.u32 $0x8100, s30;
	s14 =	sshrl.u32 s14, $0x2;
	v0 =	vld [tilespmem:s18+$0x0]  }
0x31: {  	v1 =	vld [tilespmem:s18+$0xFFFFFFE0];
	s16 =	sor.u32 $0x4000, s14  }
0x32: {  	s31 =	sshrl.u32 s15, $0x2;
	s15 =	sadd.s32 $0x0, s16  }
0x33: {  	s17 =	simm.s32 $0x4;
	s18 =	sadd.s32 $0x40, s18;
	s14 =	sor.u32 $0x4000, s31;
	[tilespmem:s15+$0x1830 ss:$0x81] =	vst.msk $0xffff, v3  }
.LBB1_3:
0x34: {  	v3 =	vld [tilespmem:s18+$0x10];
	p1 =	sne.s32 s17, $0x1FC;
	[tilespmem:s15+$0x810 ss:$0x81] =	vst.msk $0xffff, v2;
	s19 =	smov.u32 s17;
	s17 =	sadd.s32 $0x4, s17  }
.Ltmp3:
0x35: {  	v2 =	vld [tilespmem:s18+$0xFFFFFFF0];
	[tilespmem:s15+$0x1020 ss:$0x81] =	vst.msk $0xffff, v0;
	(pc) =	sbr.rel @p1 .LBB1_3-.Ltmp3, $4  }
0x36: {  	v0 =	vld [tilespmem:s18+$0x0];
	[tilespmem:s15+$0x0 ss:$0x81] =	vst.msk $0xffff, v1  }
0x37: {  	s15 =	sshra.s32 s19, $0x2;
	v1 =	vld [tilespmem:s18+$0xFFFFFFE0]  }
0x38: {  	s15 =	sadd.s32 s15, s16  }
0x39: {  	s18 =	sadd.s32 $0x40, s18;
	[tilespmem:s15+$0x1830 ss:$0x81] =	vst.msk $0xffff, v3  }
.Ltmp4:
0x3a: {  	_ = 	snop;
	(pc) =	sbr.rel .LBB1_4-.Ltmp4, $1  }
0x3b: {  	_ =	sdelay $0x3  }
.LBB1_6:
0x3c: {  	_ =	sfence.sel $0x180000  }
0x3d: {  	s2 =	simm.s32 $0x1;
	[bflag:$0x0] =	sbarrier.arrive $0xFFFF  }
0x3e: {  	s31 =	simm.s32 $0x2;
	[sflag:s2] =	ssyncpa.u1 $0x1  }
0x3f: {  	[sflag:s31] =	ssyncpa.u1 $0x1  }
0x40: {  	p0 =	sne.s32 s0, $0x0;
	_ =	strace $0x9000004A  }
0x41: {  	s0 =	sadd.s32 @!p0 $0x100000, s1;
	[bflag:$0x2] =	sbarrier.arrive $0xFFFF  }
0x42: {  	[sflag:s0] =	ssyncadd.tile.s32 @!p0 $0x1;
	_ =	shalt  }
.Lfunc_end1:
_tile_overlayer_lowered:
.L_overlay_start_2:
0x43: {  	(tag) =	ssettag $0x2  }
0x44: {  	s0 =	rddreg [dreg:$0x0];
	s2 =	stileid.u32  }
0x45: {  	s1 =	rddreg [dreg:$0x1];
	p0 =	sne.s32 s2, $0x0  }
0x46: {  	s3 =	rddreg [dreg:$0x2];
	[bflag:$0x3] =	sbarrier.arrive $0xFFFF;
	s2 =	simm.s32 @!p0 $0x1C01  }
0x47: {  	[timem:s3], [sflag:s2] =	dma.local @!p0 [hbm:s0], s1  }
0x48: {  	s0 =	simm.s32 @!p0 $0x1  }
0x49: {  	_ =	swait.ge @!p0 [sflag:s0], s1  }
0x4a: {  	s1 =	ssub.s32 @!p0 $0x0, s1;
	[sflag:s0] =	ssyncset.done @!p0 $0x0  }
0x4b: {  	[sflag:s0] =	ssyncadd.s32 @!p0 s1  }
0x4c: {  	[bflag:$0x3] =	sbarrier.arrive $0xFFFF  }
0x4d: {  	_ =	shalt  }

</sc_bundles>
